<compile_context>
chip_gen: v7x
topology: tpu7x:2x2x1
jax: 0.10.2.dev20260603
libtpu: 0.0.44.dev20260713+nightly
codegen_flags: <defaults>
</compile_context>

<pallas_src>
import functools

import jax
import jax.numpy as jnp
from jax import lax
from jax.experimental import pallas as pl
from jax.experimental.pallas import tpu as pltpu
from jax.experimental.pallas import tpu_sc as plsc

_S = 2048
_H = 12
_DH = 64
_DM = 768
_NC = 2
_NS = 16
_NW = _NC * _NS
_NIDX = 2 * _S
_ROWS_PER_W = _NIDX // _NW
_T = 512
_NB = _S // _T
_SCALE = 1.0 / 8.0


def _bf16_bits(bits):
    return ((bits + 0x7FFF + ((bits >> 16) & 1)) >> 16) & 0xFFFF


def _pack_rows(x):
    bits = lax.bitcast_convert_type(x, jnp.int32)
    hi = _bf16_bits(bits[:, :_DM // 2])
    lo = _bf16_bits(bits[:, _DM // 2:])
    return (hi << 16) | lo


def _unpack_rows(w):
    hi = lax.bitcast_convert_type(w & jnp.int32(-65536), jnp.float32)
    lo = lax.bitcast_convert_type(w << 16, jnp.float32)
    return jnp.concatenate([hi, lo], axis=1)


def _proj3_body(qi_ref, ki_ref, vi_ref, wq_ref, wk_ref, wv_ref,
                q_ref, k_ref, v_ref, kb_ref, vb_ref, sv_ref):
    dn = (((1,), (1,)), ((), ()))
    q_ref[...] = lax.dot_general(qi_ref[...], wq_ref[...], dn,
                                 preferred_element_type=jnp.float32
                                 ).astype(jnp.bfloat16)
    k = lax.dot_general(ki_ref[...], wk_ref[...], dn,
                        preferred_element_type=jnp.float32)
    k_ref[...] = k
    kb_ref[...] = _pack_rows(k)
    v = lax.dot_general(vi_ref[...], wv_ref[...], dn,
                        preferred_element_type=jnp.float32)
    v_ref[...] = v
    vb_ref[...] = _pack_rows(v)
    part = jnp.sum(v, axis=0, keepdims=True)

    @pl.when(pl.program_id(0) == 0)
    def _init():
        sv_ref[...] = part

    @pl.when(pl.program_id(0) != 0)
    def _acc():
        sv_ref[...] = sv_ref[...] + part


def _project(Qa, Ka, Va, Wq, Wk, Wv):
    blk = pl.BlockSpec((_T, _DM), lambda b: (b, 0))
    hblk = pl.BlockSpec((_T, _DM // 2), lambda b: (b, 0))
    wblk = pl.BlockSpec((_DM, _DM), lambda b: (0, 0))
    sdf = jax.ShapeDtypeStruct((_S, _DM), jnp.float32)
    sdb = jax.ShapeDtypeStruct((_S, _DM), jnp.bfloat16)
    sdp = jax.ShapeDtypeStruct((_S, _DM // 2), jnp.int32)
    return pl.pallas_call(
        _proj3_body,
        grid=(_NB,),
        in_specs=[blk, blk, blk, wblk, wblk, wblk],
        out_specs=[blk, blk, blk, hblk, hblk,
                   pl.BlockSpec((1, _DM), lambda b: (0, 0))],
        out_shape=[sdb, sdf, sdf, sdp, sdp,
                   jax.ShapeDtypeStruct((1, _DM), jnp.float32)],
    )(Qa, Ka, Va, Wq, Wk, Wv)


def _sc_gather_body(k_hbm, v_hbm, idx_hbm, ok_hbm, ov_hbm,
                    idx_v, rows_k, rows_v, sem_k, sem_v):
    wid = lax.axis_index("s") * _NC + lax.axis_index("c")
    base = wid * _ROWS_PER_W
    pltpu.sync_copy(idx_hbm.at[pl.ds(base, _ROWS_PER_W)], idx_v)
    ck = pltpu.async_copy(k_hbm.at[idx_v], rows_k, sem_k)
    cv = pltpu.async_copy(v_hbm.at[idx_v], rows_v, sem_v)
    ck.wait()
    pltpu.sync_copy(rows_k, ok_hbm.at[pl.ds(base, _ROWS_PER_W)])
    cv.wait()
    pltpu.sync_copy(rows_v, ov_hbm.at[pl.ds(base, _ROWS_PER_W)])


def _sc_gather(kb32, vb32, ridx):
    mesh = plsc.VectorSubcoreMesh(core_axis_name="c", subcore_axis_name="s")
    run = functools.partial(
        pl.kernel,
        mesh=mesh,
        out_type=[
            jax.ShapeDtypeStruct((_NIDX, _DM // 2), jnp.int32),
            jax.ShapeDtypeStruct((_NIDX, _DM // 2), jnp.int32),
        ],
        scratch_types=[
            pltpu.VMEM((_ROWS_PER_W,), jnp.int32),
            pltpu.VMEM((_ROWS_PER_W, _DM // 2), jnp.int32),
            pltpu.VMEM((_ROWS_PER_W, _DM // 2), jnp.int32),
            pltpu.SemaphoreType.DMA,
            pltpu.SemaphoreType.DMA,
        ],
    )(_sc_gather_body)
    return run(kb32, vb32, ridx)


def _segmats():
    d_idx = lax.broadcasted_iota(jnp.int32, (_DM, _H), 0)
    h_idx = lax.broadcasted_iota(jnp.int32, (_DM, _H), 1)
    seg = (d_idx // _DH == h_idx).astype(jnp.float32)
    d_idx2 = lax.broadcasted_iota(jnp.int32, (_H, _DM), 1)
    h_idx2 = lax.broadcasted_iota(jnp.int32, (_H, _DM), 0)
    segt = (d_idx2 // _DH == h_idx2).astype(jnp.float32)
    return seg, segt


def _attn_a_body(q_ref, k_ref, v_ref, sv_ref, wo_ref,
                 num_ref, den_ref, g_ref):
    b = pl.program_id(0)
    base = b * _T
    q = q_ref[...].astype(jnp.float32)
    seg, segt = _segmats()
    dn_nt = (((1,), (0,)), ((), ()))
    dn_tt = (((1,), (1,)), ((), ()))
    zrow = jnp.zeros((1, _DM), jnp.float32)

    base = pl.multiple_of(base, _T)

    def shifts(ref):
        c = ref[pl.ds(base, _T)]
        pstart = pl.multiple_of(jnp.maximum(base - 8, 0), 8)
        pchunk = ref[pl.ds(pstart, 8)]
        prow = jnp.where(b == 0, zrow, pchunk[7:8])
        nstart = pl.multiple_of(jnp.minimum(base + _T, _S - 8), 8)
        nchunk = ref[pl.ds(nstart, 8)]
        nrow = jnp.where(b == _NB - 1, zrow, nchunk[0:1])
        m1 = jnp.concatenate([prow, c[:-1]], axis=0)
        p1 = jnp.concatenate([c[1:], nrow], axis=0)
        return c, m1, p1

    kc, km1, kp1 = shifts(k_ref)
    vc, vm1, vp1 = shifts(v_ref)
    k0 = k_ref[0:1]
    v0 = v_ref[0:1]

    def wexp(kk):
        s = lax.dot_general(q * kk, seg, dn_nt,
                            preferred_element_type=jnp.float32) * _SCALE
        return jnp.exp(s) - 1.0

    rows_g = base + lax.broadcasted_iota(jnp.int32, (_T, 1), 0)
    w0 = wexp(k0) * (rows_g != 1).astype(jnp.float32)
    wm1 = wexp(km1)
    wc = wexp(kc)
    wp1 = wexp(kp1)

    den_ref[...] = float(_S) + w0 + wm1 + wc + wp1

    def bcast(w):
        return lax.dot_general(w, segt, dn_nt,
                               preferred_element_type=jnp.float32)

    num_ref[...] = (sv_ref[...] + bcast(w0) * v0 + bcast(wm1) * vm1
                    + bcast(wc) * vc + bcast(wp1) * vp1)

    def global_row(qrow):
        kfull = k_ref[...]
        vfull = v_ref[...]
        sg = lax.dot_general(kfull * qrow, seg, dn_nt,
                             preferred_element_type=jnp.float32) * _SCALE
        sg = sg - jnp.max(sg, axis=0, keepdims=True)
        eg = jnp.exp(sg)
        pg = eg / jnp.sum(eg, axis=0, keepdims=True)
        pb = lax.dot_general(pg, segt, dn_nt,
                             preferred_element_type=jnp.float32)
        og = jnp.sum(pb * vfull, axis=0, keepdims=True)
        return lax.dot_general(og.astype(jnp.bfloat16), wo_ref[...], dn_tt,
                               preferred_element_type=jnp.float32)

    @pl.when(b == 0)
    def _g0():
        g_ref[0:1, :] = global_row(q[0:1])

    @pl.when(b == _NB - 1)
    def _g1():
        g_ref[1:2, :] = global_row(q[_T - 1:_T])


def _attn_a(q, k, v, sumv, wo):
    full = pl.BlockSpec((_S, _DM), lambda b: (0, 0))
    return pl.pallas_call(
        _attn_a_body,
        grid=(_NB,),
        in_specs=[
            pl.BlockSpec((_T, _DM), lambda b: (b, 0)),
            full,
            full,
            pl.BlockSpec((1, _DM), lambda b: (0, 0)),
            pl.BlockSpec((_DM, _DM), lambda b: (0, 0)),
        ],
        out_specs=[
            pl.BlockSpec((_T, _DM), lambda b: (b, 0)),
            pl.BlockSpec((_T, _H), lambda b: (b, 0)),
            pl.BlockSpec((8, _DM), lambda b: (0, 0)),
        ],
        out_shape=[
            jax.ShapeDtypeStruct((_S, _DM), jnp.float32),
            jax.ShapeDtypeStruct((_S, _H), jnp.float32),
            jax.ShapeDtypeStruct((8, _DM), jnp.float32),
        ],
    )(q, k, v, sumv, wo)


def _attn_b_body(q_ref, kr_ref, vr_ref, m_ref, num_ref, den_ref, g_ref,
                 wo_ref, o_ref):
    b = pl.program_id(0)
    q = q_ref[...].astype(jnp.float32)
    seg, segt = _segmats()
    dn_nt = (((1,), (0,)), ((), ()))
    dn_tt = (((1,), (1,)), ((), ()))

    kr1 = _unpack_rows(kr_ref[0])
    kr2 = _unpack_rows(kr_ref[1])
    vr1 = _unpack_rows(vr_ref[0])
    vr2 = _unpack_rows(vr_ref[1])

    def wexp(kk):
        s = lax.dot_general(q * kk, seg, dn_nt,
                            preferred_element_type=jnp.float32) * _SCALE
        return jnp.exp(s) - 1.0

    wr1 = wexp(kr1)
    wr2 = wexp(kr2) * m_ref[...]
    inv = 1.0 / (den_ref[...] + wr1 + wr2)

    def bcast(w):
        return lax.dot_general(w, segt, dn_nt,
                               preferred_element_type=jnp.float32)

    num = num_ref[...] + bcast(wr1) * vr1 + bcast(wr2) * vr2
    x = num * bcast(inv)
    o_ref[...] = lax.dot_general(x.astype(jnp.bfloat16), wo_ref[...], dn_tt,
                                 preferred_element_type=jnp.float32)

    @pl.when(b == 0)
    def _g0():
        o_ref[0:1, :] = g_ref[0:1, :]

    @pl.when(b == _NB - 1)
    def _g1():
        o_ref[_T - 1:_T, :] = g_ref[1:2, :]


def _attn_b(q, krv, vrv, rmask, numa, dena, gout, wo):
    return pl.pallas_call(
        _attn_b_body,
        grid=(_NB,),
        in_specs=[
            pl.BlockSpec((_T, _DM), lambda b: (b, 0)),
            pl.BlockSpec((2, _T, _DM // 2), lambda b: (0, b, 0)),
            pl.BlockSpec((2, _T, _DM // 2), lambda b: (0, b, 0)),
            pl.BlockSpec((_T, 1), lambda b: (b, 0)),
            pl.BlockSpec((_T, _DM), lambda b: (b, 0)),
            pl.BlockSpec((_T, _H), lambda b: (b, 0)),
            pl.BlockSpec((8, _DM), lambda b: (0, 0)),
            pl.BlockSpec((_DM, _DM), lambda b: (0, 0)),
        ],
        out_specs=pl.BlockSpec((_T, _DM), lambda b: (b, 0)),
        out_shape=jax.ShapeDtypeStruct((_S, _DM), jnp.float32),
    )(q, krv, vrv, rmask, numa, dena, gout, wo)


def kernel(Q, K, V, Wq, Wk, Wv, Wo, idx_tensor):
    q, k, v, kb, vb, sumv = _project(Q[0], K[0], V[0], Wq, Wk, Wv)

    idx = idx_tensor[0, 0].astype(jnp.int32)
    r1 = jnp.pad(idx[:, 1], (1, 1))
    r2 = jnp.pad(idx[:, 2], (1, 1))
    ridx = jnp.concatenate([r1, r2])
    k_rand, v_rand = _sc_gather(kb, vb, ridx)

    krv = k_rand.reshape(2, _S, _DM // 2)
    vrv = v_rand.reshape(2, _S, _DM // 2)
    rmask = (r1 != r2).astype(jnp.float32)[:, None]

    wob = Wo.astype(jnp.bfloat16)
    numa, dena, gout = _attn_a(q, k, v, sumv, wob)
    out = _attn_b(q, krv, vrv, rmask, numa, dena, gout, wob)
    return out[None]

# --- scband reference (transcript-rebuilt; emitter-appended) ---
"""Pipeline reference for scband-sparse-multi-head-attention-88957362635183 (READ-ONLY COPY).

The authoritative reference and input builder live on the scoring server;
editing this copy changes nothing except your own understanding.
"""

import jax, jax.numpy as jnp
import numpy as np

N_HEADS = 12
D_MODEL = 768
DK = 64
DV = 64
SEQ_LEN = 2048
G = 1
W = 3
R = 2


def build_idx_tensor(seq_len=SEQ_LEN, g=G, w=W, r=R, seed=0):
    rng = np.random.RandomState(seed)
    special_num = g - (w - 1) // 2
    num_sublists = seq_len - w + 2
    indices = (np.arange(num_sublists)[:, None] + np.arange(w)[None, :]) + max(special_num, 0)
    rand_idx = []
    for i in range(g, seq_len - g):
        row = []
        for _ in range(r):
            sampled = int(rng.choice(np.arange(1, seq_len)))
            while i - (w - 1) // 2 <= sampled <= i + (w - 1) // 2 and sampled not in row:
                sampled = int(rng.choice(np.arange(1, seq_len)))
            row.append(sampled)
        rand_idx.append(row)
    positions = np.arange(g, seq_len - g)
    idx_list = []
    for i in range(len(positions)):
        idx_list.append([0] + rand_idx[i] + indices[i].tolist())
    idx = np.array(idx_list, dtype=np.int64)
    return jnp.asarray(idx)[None, None, :, :]


def sparse_attention(Q, K, V, idx_tensor, g=G, w=W):
    B, H, S, dk = Q.shape
    global_idx = jnp.array(list(range(g)) + list(range(S - g, S)), dtype=jnp.int64)
    global_attn = jnp.einsum('bhgd,bhtd->bhgt', Q[:, :, global_idx, :], K)
    rand_idxs = idx_tensor[0, 0, :, 1:-w]
    rand_keys = K[:, :, rand_idxs, :]
    wind_idxs = idx_tensor[0, 0, :, -w:]
    window_keys = K[:, :, wind_idxs, :]
    P = S - 2 * g
    first_keys = jnp.broadcast_to(K[:, :, 0:1, :], (B, H, P, dk))[:, :, :, None, :]
    combined_keys = jnp.concatenate([first_keys, rand_keys, window_keys], axis=-2)
    attn_scores = jnp.einsum('bhsd,bhskd->bhsk', Q[:, :, g:S - g, :], combined_keys)
    result = jnp.zeros((B, H, S, S), dtype=Q.dtype)
    result = result.at[:, :, global_idx, :].set(global_attn)
    idx_exp = jnp.broadcast_to(idx_tensor, (B, H, P, idx_tensor.shape[-1]))
    b_idx = jnp.arange(B)[:, None, None, None]
    h_idx = jnp.arange(H)[None, :, None, None]
    s_idx = jnp.arange(g, S - g)[None, None, :, None]
    result = result.at[b_idx, h_idx, s_idx, idx_exp].set(attn_scores)
    result = result / (dk ** 0.5)
    attention = jax.nn.softmax(result, axis=-1)
    return attention @ V


def setup_inputs(seed: int = 0):
    key = jax.random.key(seed)
    ks = jax.random.split(key, 7)
    B = 1
    Q = jax.random.normal(ks[0], (B, SEQ_LEN, D_MODEL), dtype=jnp.float32)
    K = jax.random.normal(ks[1], (B, SEQ_LEN, D_MODEL), dtype=jnp.float32)
    V = jax.random.normal(ks[2], (B, SEQ_LEN, D_MODEL), dtype=jnp.float32)
    Wq = jax.random.normal(ks[3], (N_HEADS * DK, D_MODEL), dtype=jnp.float32) * 0.02
    Wk = jax.random.normal(ks[4], (N_HEADS * DK, D_MODEL), dtype=jnp.float32) * 0.02
    Wv = jax.random.normal(ks[5], (N_HEADS * DV, D_MODEL), dtype=jnp.float32) * 0.02
    Wo = jax.random.normal(ks[6], (D_MODEL, N_HEADS * DV), dtype=jnp.float32) * 0.02
    idx_tensor = build_idx_tensor()
    return {'Q': Q, 'K': K, 'V': V, 'Wq': Wq, 'Wk': Wk, 'Wv': Wv, 'Wo': Wo, 'idx_tensor': idx_tensor}


def reference(Q, K, V, Wq, Wk, Wv, Wo, idx_tensor):
    B, S, _ = Q.shape
    q = Q @ Wq.T
    k = K @ Wk.T
    v = V @ Wv.T
    q = q.reshape(B, S, N_HEADS, DK).transpose(0, 2, 1, 3)
    k = k.reshape(B, S, N_HEADS, DK).transpose(0, 2, 1, 3)
    v = v.reshape(B, S, N_HEADS, DV).transpose(0, 2, 1, 3)
    x = sparse_attention(q, k, v, idx_tensor, g=G, w=W)
    x = x.transpose(0, 2, 1, 3).reshape(B, S, N_HEADS * DV)
    return x @ Wo.T

if __name__ == "__main__":
    import jax
    _d = setup_inputs()
    print(jax.jit(kernel)(*tuple(_d.values())))

</pallas_src>

<mosaic_0001>
#map = affine_map<(d0, d1) -> (0, 0)>
#map1 = affine_map<(d0, d1) -> (0)>
module attributes {stable_mosaic.version = 14 : i64} {
  func.func @_sc_gather_body(%arg0: i32, %arg1: i32, %arg2: memref<2048x384xi32, #tpu.memory_space<hbm>>, %arg3: memref<2048x384xi32, #tpu.memory_space<hbm>>, %arg4: memref<4096xi32, #tpu.memory_space<hbm>>, %arg5: memref<4096x384xi32, #tpu.memory_space<hbm>>, %arg6: memref<4096x384xi32, #tpu.memory_space<hbm>>, %arg7: memref<128xi32, #tpu.memory_space<vmem>>, %arg8: memref<128x384xi32, #tpu.memory_space<vmem>>, %arg9: memref<128x384xi32, #tpu.memory_space<vmem>>, %arg10: memref<!tpu.dma_semaphore, #tpu.memory_space<semaphore_mem>>, %arg11: memref<!tpu.dma_semaphore, #tpu.memory_space<semaphore_mem>>) attributes {dimension_semantics = [#tpu.dimension_semantics<core_parallel>, #tpu.dimension_semantics<subcore_parallel>], iteration_bounds = array<i64: 2, 16>, scalar_prefetch = 0 : i64, scratch_operands = 5 : i64, tpu.core_type = #tpu.core_type<sc_vector_subcore>, window_params = [{transform_indices = #map}, {transform_indices = #map}, {transform_indices = #map1}, {transform_indices = #map}, {transform_indices = #map}]} {
    %mul3A = arith.constant 2 : i32
    %mul3A_0 = arith.muli %arg1, %mul3A : i32
    %add3A = arith.addi %mul3A_0, %arg0 : i32
    %mul3A_1 = arith.constant 128 : i32
    %mul3A_2 = arith.muli %add3A, %mul3A_1 : i32
    "tpu.region"() ({
      %run_scoped3A = tpu.sem_alloc : memref<!tpu.dma_semaphore, #tpu.memory_space<semaphore_mem>>
      %dma_start3A_13 = tpu.memref_slice %arg4[%mul3A_2] : memref<4096xi32, #tpu.memory_space<hbm>> -> memref<128xi32, #tpu.memory_space<hbm>>
      %dma_start3A_14 = tpu.memref_slice %arg4[%mul3A_2] : memref<4096xi32, #tpu.memory_space<hbm>> -> memref<128xi32, #tpu.memory_space<hbm>>
      tpu.enqueue_dma source(%dma_start3A_14 : memref<128xi32, #tpu.memory_space<hbm>>) target(%arg7 : memref<128xi32, #tpu.memory_space<vmem>>) target_semaphore(%run_scoped3A : memref<!tpu.dma_semaphore, #tpu.memory_space<semaphore_mem>>)
      %dma_wait3A_15 = tpu.memref_slice %arg4[%mul3A_2] : memref<4096xi32, #tpu.memory_space<hbm>> -> memref<128xi32, #tpu.memory_space<hbm>>
      %dma_wait3A_16 = tpu.memref_slice %arg4[%mul3A_2] : memref<4096xi32, #tpu.memory_space<hbm>> -> memref<128xi32, #tpu.memory_space<hbm>>
      tpu.wait_dma2 semaphore(%run_scoped3A : memref<!tpu.dma_semaphore, #tpu.memory_space<semaphore_mem>>) src(%dma_wait3A_16 : memref<128xi32, #tpu.memory_space<hbm>>) dst(%arg7 : memref<128xi32, #tpu.memory_space<vmem>>)
      tpu.yield
    }) : () -> ()
    %dma_start3A = arith.constant 0 : i32
    %dma_start3A_3 = arith.constant 0 : i32
    %dma_start3A_4 = tpu.memref_slice %arg2[%dma_start3A, %dma_start3A_3] : memref<2048x384xi32, #tpu.memory_space<hbm>> -> memref<2048x384xi32, #tpu.memory_space<hbm>>
    tpu.enqueue_indirect_dma source(%dma_start3A_4 : memref<2048x384xi32, #tpu.memory_space<hbm>>) target(%arg8 : memref<128x384xi32, #tpu.memory_space<vmem>>) offsets(%arg7 : memref<128xi32, #tpu.memory_space<vmem>>) semaphore(%arg10 : memref<!tpu.dma_semaphore, #tpu.memory_space<semaphore_mem>>)
    %dma_start3A_5 = arith.constant 0 : i32
    %dma_start3A_6 = arith.constant 0 : i32
    %dma_start3A_7 = tpu.memref_slice %arg3[%dma_start3A_5, %dma_start3A_6] : memref<2048x384xi32, #tpu.memory_space<hbm>> -> memref<2048x384xi32, #tpu.memory_space<hbm>>
    tpu.enqueue_indirect_dma source(%dma_start3A_7 : memref<2048x384xi32, #tpu.memory_space<hbm>>) target(%arg9 : memref<128x384xi32, #tpu.memory_space<vmem>>) offsets(%arg7 : memref<128xi32, #tpu.memory_space<vmem>>) semaphore(%arg11 : memref<!tpu.dma_semaphore, #tpu.memory_space<semaphore_mem>>)
    %dma_wait3A = arith.constant 0 : i32
    %dma_wait3A_8 = arith.constant 0 : i32
    %dma_wait3A_9 = tpu.memref_slice %arg2[%dma_wait3A, %dma_wait3A_8] : memref<2048x384xi32, #tpu.memory_space<hbm>> -> memref<2048x384xi32, #tpu.memory_space<hbm>>
    tpu.wait_indirect_dma semaphore(%arg10 : memref<!tpu.dma_semaphore, #tpu.memory_space<semaphore_mem>>) src(%dma_wait3A_9 : memref<2048x384xi32, #tpu.memory_space<hbm>>) dst(%arg8 : memref<128x384xi32, #tpu.memory_space<vmem>>)
    "tpu.region"() ({
      %run_scoped3A = tpu.sem_alloc : memref<!tpu.dma_semaphore, #tpu.memory_space<semaphore_mem>>
      %dma_start3A_13 = arith.constant 0 : i32
      %dma_start3A_14 = tpu.memref_slice %arg5[%mul3A_2, %dma_start3A_13] : memref<4096x384xi32, #tpu.memory_space<hbm>> -> memref<128x384xi32, #tpu.memory_space<hbm>>
      %dma_start3A_15 = arith.constant 0 : i32
      %dma_start3A_16 = tpu.memref_slice %arg5[%mul3A_2, %dma_start3A_15] : memref<4096x384xi32, #tpu.memory_space<hbm>> -> memref<128x384xi32, #tpu.memory_space<hbm>>
      tpu.enqueue_dma source(%arg8 : memref<128x384xi32, #tpu.memory_space<vmem>>) target(%dma_start3A_16 : memref<128x384xi32, #tpu.memory_space<hbm>>) target_semaphore(%run_scoped3A : memref<!tpu.dma_semaphore, #tpu.memory_space<semaphore_mem>>)
      %dma_wait3A_17 = arith.constant 0 : i32
      %dma_wait3A_18 = tpu.memref_slice %arg5[%mul3A_2, %dma_wait3A_17] : memref<4096x384xi32, #tpu.memory_space<hbm>> -> memref<128x384xi32, #tpu.memory_space<hbm>>
      %dma_wait3A_19 = arith.constant 0 : i32
      %dma_wait3A_20 = tpu.memref_slice %arg5[%mul3A_2, %dma_wait3A_19] : memref<4096x384xi32, #tpu.memory_space<hbm>> -> memref<128x384xi32, #tpu.memory_space<hbm>>
      tpu.wait_dma2 semaphore(%run_scoped3A : memref<!tpu.dma_semaphore, #tpu.memory_space<semaphore_mem>>) src(%arg8 : memref<128x384xi32, #tpu.memory_space<vmem>>) dst(%dma_wait3A_20 : memref<128x384xi32, #tpu.memory_space<hbm>>)
      tpu.yield
    }) : () -> ()
    %dma_wait3A_10 = arith.constant 0 : i32
    %dma_wait3A_11 = arith.constant 0 : i32
    %dma_wait3A_12 = tpu.memref_slice %arg3[%dma_wait3A_10, %dma_wait3A_11] : memref<2048x384xi32, #tpu.memory_space<hbm>> -> memref<2048x384xi32, #tpu.memory_space<hbm>>
    tpu.wait_indirect_dma semaphore(%arg11 : memref<!tpu.dma_semaphore, #tpu.memory_space<semaphore_mem>>) src(%dma_wait3A_12 : memref<2048x384xi32, #tpu.memory_space<hbm>>) dst(%arg9 : memref<128x384xi32, #tpu.memory_space<vmem>>)
    "tpu.region"() ({
      %run_scoped3A = tpu.sem_alloc : memref<!tpu.dma_semaphore, #tpu.memory_space<semaphore_mem>>
      %dma_start3A_13 = arith.constant 0 : i32
      %dma_start3A_14 = tpu.memref_slice %arg6[%mul3A_2, %dma_start3A_13] : memref<4096x384xi32, #tpu.memory_space<hbm>> -> memref<128x384xi32, #tpu.memory_space<hbm>>
      %dma_start3A_15 = arith.constant 0 : i32
      %dma_start3A_16 = tpu.memref_slice %arg6[%mul3A_2, %dma_start3A_15] : memref<4096x384xi32, #tpu.memory_space<hbm>> -> memref<128x384xi32, #tpu.memory_space<hbm>>
      tpu.enqueue_dma source(%arg9 : memref<128x384xi32, #tpu.memory_space<vmem>>) target(%dma_start3A_16 : memref<128x384xi32, #tpu.memory_space<hbm>>) target_semaphore(%run_scoped3A : memref<!tpu.dma_semaphore, #tpu.memory_space<semaphore_mem>>)
      %dma_wait3A_17 = arith.constant 0 : i32
      %dma_wait3A_18 = tpu.memref_slice %arg6[%mul3A_2, %dma_wait3A_17] : memref<4096x384xi32, #tpu.memory_space<hbm>> -> memref<128x384xi32, #tpu.memory_space<hbm>>
      %dma_wait3A_19 = arith.constant 0 : i32
      %dma_wait3A_20 = tpu.memref_slice %arg6[%mul3A_2, %dma_wait3A_19] : memref<4096x384xi32, #tpu.memory_space<hbm>> -> memref<128x384xi32, #tpu.memory_space<hbm>>
      tpu.wait_dma2 semaphore(%run_scoped3A : memref<!tpu.dma_semaphore, #tpu.memory_space<semaphore_mem>>) src(%arg9 : memref<128x384xi32, #tpu.memory_space<vmem>>) dst(%dma_wait3A_20 : memref<128x384xi32, #tpu.memory_space<hbm>>)
      tpu.yield
    }) : () -> ()
    return
  }
}

module attributes {stable_mosaic.version = 14 : i64} {
  func.func @_proj3_body(%arg0: i32, %arg1: memref<512x768xf32, #tpu.memory_space<vmem>>, %arg2: memref<512x768xf32, #tpu.memory_space<vmem>>, %arg3: memref<512x768xf32, #tpu.memory_space<vmem>>, %arg4: memref<768x768xf32, #tpu.memory_space<vmem>>, %arg5: memref<768x768xf32, #tpu.memory_space<vmem>>, %arg6: memref<768x768xf32, #tpu.memory_space<vmem>>, %arg7: memref<512x768xbf16, #tpu.memory_space<vmem>>, %arg8: memref<512x768xf32, #tpu.memory_space<vmem>>, %arg9: memref<512x768xf32, #tpu.memory_space<vmem>>, %arg10: memref<512x384xi32, #tpu.memory_space<vmem>>, %arg11: memref<512x384xi32, #tpu.memory_space<vmem>>, %arg12: memref<1x768xf32, #tpu.memory_space<vmem>>) attributes {dimension_semantics = [#tpu.dimension_semantics<arbitrary>], iteration_bounds = array<i64: 4>, scalar_prefetch = 0 : i64, scratch_operands = 0 : i64, tpu.core_type = #tpu.core_type<tc>, window_params = [{transform_indices = @transform_0, window_bounds = array<i64: 512, 768>}, {transform_indices = @transform_1, window_bounds = array<i64: 512, 768>}, {transform_indices = @transform_2, window_bounds = array<i64: 512, 768>}, {pipeline_mode = #tpu.pipeline_mode<synchronous>, transform_indices = @transform_3, window_bounds = array<i64: 768, 768>}, {pipeline_mode = #tpu.pipeline_mode<synchronous>, transform_indices = @transform_4, window_bounds = array<i64: 768, 768>}, {pipeline_mode = #tpu.pipeline_mode<synchronous>, transform_indices = @transform_5, window_bounds = array<i64: 768, 768>}, {transform_indices = @transform_6, window_bounds = array<i64: 512, 768>}, {transform_indices = @transform_7, window_bounds = array<i64: 512, 768>}, {transform_indices = @transform_8, window_bounds = array<i64: 512, 768>}, {transform_indices = @transform_9, window_bounds = array<i64: 512, 384>}, {transform_indices = @transform_10, window_bounds = array<i64: 512, 384>}, {pipeline_mode = #tpu.pipeline_mode<synchronous>, transform_indices = @transform_11, window_bounds = array<i64: 1, 768>}]} {
    %get3A = arith.constant 0 : index
    %get3A_0 = arith.constant 0 : index
    %get3A_1 = vector.load %arg1[%get3A, %get3A_0] : memref<512x768xf32, #tpu.memory_space<vmem>>, vector<512x768xf32>
    %get3A_2 = arith.constant 0 : index
    %get3A_3 = arith.constant 0 : index
    %get3A_4 = vector.load %arg4[%get3A_2, %get3A_3] : memref<768x768xf32, #tpu.memory_space<vmem>>, vector<768x768xf32>
    %dot_general3A = arith.constant dense<0.000000e+00> : vector<512x768xf32>
    %dot_general3A_5 = tpu.matmul %get3A_1, %get3A_4, %dot_general3A {dimension_numbers = #tpu.dot_dimension_numbers<[1], [1], [0], [0], [0, 0, 1, 0], [], []>, transpose_lhs_hint = false} : vector<512x768xf32>, vector<768x768xf32>, vector<512x768xf32> -> vector<512x768xf32>
    %convert_element_type3A = arith.truncf %dot_general3A_5 : vector<512x768xf32> to vector<512x768xbf16>
    %swap3A = arith.constant 0 : index
    %swap3A_6 = arith.constant 0 : index
    %swap3A_7 = vector.load %arg7[%swap3A, %swap3A_6] : memref<512x768xbf16, #tpu.memory_space<vmem>>, vector<512x768xbf16>
    tpu.vector_store %arg7[%swap3A, %swap3A_6], %convert_element_type3A {strides = array<i32>} : memref<512x768xbf16, #tpu.memory_space<vmem>>, vector<512x768xbf16>,
    %get3A_8 = arith.constant 0 : index
    %get3A_9 = arith.constant 0 : index
    %get3A_10 = vector.load %arg2[%get3A_8, %get3A_9] : memref<512x768xf32, #tpu.memory_space<vmem>>, vector<512x768xf32>
    %get3A_11 = arith.constant 0 : index
    %get3A_12 = arith.constant 0 : index
    %get3A_13 = vector.load %arg5[%get3A_11, %get3A_12] : memref<768x768xf32, #tpu.memory_space<vmem>>, vector<768x768xf32>
    %dot_general3A_14 = arith.constant dense<0.000000e+00> : vector<512x768xf32>
    %dot_general3A_15 = tpu.matmul %get3A_10, %get3A_13, %dot_general3A_14 {dimension_numbers = #tpu.dot_dimension_numbers<[1], [1], [0], [0], [0, 0, 1, 0], [], []>, transpose_lhs_hint = false} : vector<512x768xf32>, vector<768x768xf32>, vector<512x768xf32> -> vector<512x768xf32>
    %swap3A_16 = arith.constant 0 : index
    %swap3A_17 = arith.constant 0 : index
    %swap3A_18 = vector.load %arg8[%swap3A_16, %swap3A_17] : memref<512x768xf32, #tpu.memory_space<vmem>>, vector<512x768xf32>
    tpu.vector_store %arg8[%swap3A_16, %swap3A_17], %dot_general3A_15 {strides = array<i32>} : memref<512x768xf32, #tpu.memory_space<vmem>>, vector<512x768xf32>,
    %bitcast_convert_type3A = tpu.bitcast %dot_general3A_15 : vector<512x768xf32> -> vector<512x768xi32>
    %slice3A = vector.extract_strided_slice %bitcast_convert_type3A {offsets = [0, 0], sizes = [512, 384], strides = [1, 1]} : vector<512x768xi32> to vector<512x384xi32>
    %add3A = arith.constant 32767 : i32
    %add3A_19 = vector.broadcast %add3A : i32 to vector<512x384xi32>
    %add3A_20 = arith.addi %slice3A, %add3A_19 : vector<512x384xi32>
    %shift_right_arithmetic3A = arith.constant 16 : i32
    %shift_right_arithmetic3A_21 = vector.broadcast %shift_right_arithmetic3A : i32 to vector<512x384xi32>
    %shift_right_arithmetic3A_22 = arith.shrsi %slice3A, %shift_right_arithmetic3A_21 : vector<512x384xi32>
    %and3A = arith.constant 1 : i32
    %and3A_23 = vector.broadcast %and3A : i32 to vector<512x384xi32>
    %and3A_24 = arith.andi %shift_right_arithmetic3A_22, %and3A_23 : vector<512x384xi32>
    %add3A_25 = arith.addi %add3A_20, %and3A_24 : vector<512x384xi32>
    %shift_right_arithmetic3A_26 = arith.constant 16 : i32
    %shift_right_arithmetic3A_27 = vector.broadcast %shift_right_arithmetic3A_26 : i32 to vector<512x384xi32>
    %shift_right_arithmetic3A_28 = arith.shrsi %add3A_25, %shift_right_arithmetic3A_27 : vector<512x384xi32>
    %and3A_29 = arith.constant 65535 : i32
    %and3A_30 = vector.broadcast %and3A_29 : i32 to vector<512x384xi32>
    %and3A_31 = arith.andi %shift_right_arithmetic3A_28, %and3A_30 : vector<512x384xi32>
    %slice3A_32 = vector.extract_strided_slice %bitcast_convert_type3A {offsets = [0, 384], sizes = [512, 384], strides = [1, 1]} : vector<512x768xi32> to vector<512x384xi32>
    %add3A_33 = arith.constant 32767 : i32
    %add3A_34 = vector.broadcast %add3A_33 : i32 to vector<512x384xi32>
    %add3A_35 = arith.addi %slice3A_32, %add3A_34 : vector<512x384xi32>
    %shift_right_arithmetic3A_36 = arith.constant 16 : i32
    %shift_right_arithmetic3A_37 = vector.broadcast %shift_right_arithmetic3A_36 : i32 to vector<512x384xi32>
    %shift_right_arithmetic3A_38 = arith.shrsi %slice3A_32, %shift_right_arithmetic3A_37 : vector<512x384xi32>
    %and3A_39 = arith.constant 1 : i32
    %and3A_40 = vector.broadcast %and3A_39 : i32 to vector<512x384xi32>
    %and3A_41 = arith.andi %shift_right_arithmetic3A_38, %and3A_40 : vector<512x384xi32>
    %add3A_42 = arith.addi %add3A_35, %and3A_41 : vector<512x384xi32>
    %shift_right_arithmetic3A_43 = arith.constant 16 : i32
    %shift_right_arithmetic3A_44 = vector.broadcast %shift_right_arithmetic3A_43 : i32 to vector<512x384xi32>
    %shift_right_arithmetic3A_45 = arith.shrsi %add3A_42, %shift_right_arithmetic3A_44 : vector<512x384xi32>
    %and3A_46 = arith.constant 65535 : i32
    %and3A_47 = vector.broadcast %and3A_46 : i32 to vector<512x384xi32>
    %and3A_48 = arith.andi %shift_right_arithmetic3A_45, %and3A_47 : vector<512x384xi32>
    %shift_left3A = arith.constant 16 : i32
    %shift_left3A_49 = vector.broadcast %shift_left3A : i32 to vector<512x384xi32>
    %shift_left3A_50 = arith.shli %and3A_31, %shift_left3A_49 : vector<512x384xi32>
    %or3A = arith.ori %shift_left3A_50, %and3A_48 : vector<512x384xi32>
    %swap3A_51 = arith.constant 0 : index
    %swap3A_52 = arith.constant 0 : index
    %swap3A_53 = vector.load %arg10[%swap3A_51, %swap3A_52] : memref<512x384xi32, #tpu.memory_space<vmem>>, vector<512x384xi32>
    tpu.vector_store %arg10[%swap3A_51, %swap3A_52], %or3A {strides = array<i32>} : memref<512x384xi32, #tpu.memory_space<vmem>>, vector<512x384xi32>,
    %get3A_54 = arith.constant 0 : index
    %get3A_55 = arith.constant 0 : index
    %get3A_56 = vector.load %arg3[%get3A_54, %get3A_55] : memref<512x768xf32, #tpu.memory_space<vmem>>, vector<512x768xf32>
    %get3A_57 = arith.constant 0 : index
    %get3A_58 = arith.constant 0 : index
    %get3A_59 = vector.load %arg6[%get3A_57, %get3A_58] : memref<768x768xf32, #tpu.memory_space<vmem>>, vector<768x768xf32>
    %dot_general3A_60 = arith.constant dense<0.000000e+00> : vector<512x768xf32>
    %dot_general3A_61 = tpu.matmul %get3A_56, %get3A_59, %dot_general3A_60 {dimension_numbers = #tpu.dot_dimension_numbers<[1], [1], [0], [0], [0, 0, 1, 0], [], []>, transpose_lhs_hint = false} : vector<512x768xf32>, vector<768x768xf32>, vector<512x768xf32> -> vector<512x768xf32>
    %swap3A_62 = arith.constant 0 : index
    %swap3A_63 = arith.constant 0 : index
    %swap3A_64 = vector.load %arg9[%swap3A_62, %swap3A_63] : memref<512x768xf32, #tpu.memory_space<vmem>>, vector<512x768xf32>
    tpu.vector_store %arg9[%swap3A_62, %swap3A_63], %dot_general3A_61 {strides = array<i32>} : memref<512x768xf32, #tpu.memory_space<vmem>>, vector<512x768xf32>,
    %bitcast_convert_type3A_65 = tpu.bitcast %dot_general3A_61 : vector<512x768xf32> -> vector<512x768xi32>
    %slice3A_66 = vector.extract_strided_slice %bitcast_convert_type3A_65 {offsets = [0, 0], sizes = [512, 384], strides = [1, 1]} : vector<512x768xi32> to vector<512x384xi32>
    %add3A_67 = arith.constant 32767 : i32
    %add3A_68 = vector.broadcast %add3A_67 : i32 to vector<512x384xi32>
    %add3A_69 = arith.addi %slice3A_66, %add3A_68 : vector<512x384xi32>
    %shift_right_arithmetic3A_70 = arith.constant 16 : i32
    %shift_right_arithmetic3A_71 = vector.broadcast %shift_right_arithmetic3A_70 : i32 to vector<512x384xi32>
    %shift_right_arithmetic3A_72 = arith.shrsi %slice3A_66, %shift_right_arithmetic3A_71 : vector<512x384xi32>
    %and3A_73 = arith.constant 1 : i32
    %and3A_74 = vector.broadcast %and3A_73 : i32 to vector<512x384xi32>
    %and3A_75 = arith.andi %shift_right_arithmetic3A_72, %and3A_74 : vector<512x384xi32>
    %add3A_76 = arith.addi %add3A_69, %and3A_75 : vector<512x384xi32>
    %shift_right_arithmetic3A_77 = arith.constant 16 : i32
    %shift_right_arithmetic3A_78 = vector.broadcast %shift_right_arithmetic3A_77 : i32 to vector<512x384xi32>
    %shift_right_arithmetic3A_79 = arith.shrsi %add3A_76, %shift_right_arithmetic3A_78 : vector<512x384xi32>
    %and3A_80 = arith.constant 65535 : i32
    %and3A_81 = vector.broadcast %and3A_80 : i32 to vector<512x384xi32>
    %and3A_82 = arith.andi %shift_right_arithmetic3A_79, %and3A_81 : vector<512x384xi32>
    %slice3A_83 = vector.extract_strided_slice %bitcast_convert_type3A_65 {offsets = [0, 384], sizes = [512, 384], strides = [1, 1]} : vector<512x768xi32> to vector<512x384xi32>
    %add3A_84 = arith.constant 32767 : i32
    %add3A_85 = vector.broadcast %add3A_84 : i32 to vector<512x384xi32>
    %add3A_86 = arith.addi %slice3A_83, %add3A_85 : vector<512x384xi32>
    %shift_right_arithmetic3A_87 = arith.constant 16 : i32
    %shift_right_arithmetic3A_88 = vector.broadcast %shift_right_arithmetic3A_87 : i32 to vector<512x384xi32>
    %shift_right_arithmetic3A_89 = arith.shrsi %slice3A_83, %shift_right_arithmetic3A_88 : vector<512x384xi32>
    %and3A_90 = arith.constant 1 : i32
    %and3A_91 = vector.broadcast %and3A_90 : i32 to vector<512x384xi32>
    %and3A_92 = arith.andi %shift_right_arithmetic3A_89, %and3A_91 : vector<512x384xi32>
    %add3A_93 = arith.addi %add3A_86, %and3A_92 : vector<512x384xi32>
    %shift_right_arithmetic3A_94 = arith.constant 16 : i32
    %shift_right_arithmetic3A_95 = vector.broadcast %shift_right_arithmetic3A_94 : i32 to vector<512x384xi32>
    %shift_right_arithmetic3A_96 = arith.shrsi %add3A_93, %shift_right_arithmetic3A_95 : vector<512x384xi32>
    %and3A_97 = arith.constant 65535 : i32
    %and3A_98 = vector.broadcast %and3A_97 : i32 to vector<512x384xi32>
    %and3A_99 = arith.andi %shift_right_arithmetic3A_96, %and3A_98 : vector<512x384xi32>
    %shift_left3A_100 = arith.constant 16 : i32
    %shift_left3A_101 = vector.broadcast %shift_left3A_100 : i32 to vector<512x384xi32>
    %shift_left3A_102 = arith.shli %and3A_82, %shift_left3A_101 : vector<512x384xi32>
    %or3A_103 = arith.ori %shift_left3A_102, %and3A_99 : vector<512x384xi32>
    %swap3A_104 = arith.constant 0 : index
    %swap3A_105 = arith.constant 0 : index
    %swap3A_106 = vector.load %arg11[%swap3A_104, %swap3A_105] : memref<512x384xi32, #tpu.memory_space<vmem>>, vector<512x384xi32>
    tpu.vector_store %arg11[%swap3A_104, %swap3A_105], %or3A_103 {strides = array<i32>} : memref<512x384xi32, #tpu.memory_space<vmem>>, vector<512x384xi32>,
    %reduce_sum3A = arith.constant dense<0.000000e+00> : vector<768xf32>
    %reduce_sum3A_107 = vector.multi_reduction <add>, %dot_general3A_61, %reduce_sum3A [0] : vector<512x768xf32> to vector<768xf32>
    %broadcast_in_dim3A = vector.shape_cast %reduce_sum3A_107 : vector<768xf32> to vector<1x768xf32>
    %eq3A = arith.constant 0 : i32
    %eq3A_108 = arith.cmpi eq, %arg0, %eq3A : i32
    %convert_element_type3A_109 = arith.extui %eq3A_108 : i1 to i32
    %cond3A = arith.constant 0 : i32
    %cond3A_110 = arith.cmpi ne, %convert_element_type3A_109, %cond3A : i32
    scf.if %cond3A_110 {
      %swap3A_115 = arith.constant 0 : index
      %swap3A_116 = arith.constant 0 : index
      %swap3A_117 = vector.load %arg12[%swap3A_115, %swap3A_116] : memref<1x768xf32, #tpu.memory_space<vmem>>, vector<1x768xf32>
      tpu.vector_store %arg12[%swap3A_115, %swap3A_116], %broadcast_in_dim3A {strides = array<i32>} : memref<1x768xf32, #tpu.memory_space<vmem>>, vector<1x768xf32>,
    } else {
    }
    %ne3A = arith.constant 0 : i32
    %ne3A_111 = arith.cmpi ne, %arg0, %ne3A : i32
    %convert_element_type3A_112 = arith.extui %ne3A_111 : i1 to i32
    %cond3A_113 = arith.constant 0 : i32
    %cond3A_114 = arith.cmpi ne, %convert_element_type3A_112, %cond3A_113 : i32
    scf.if %cond3A_114 {
      %get3A_115 = arith.constant 0 : index
      %get3A_116 = arith.constant 0 : index
      %get3A_117 = vector.load %arg12[%get3A_115, %get3A_116] : memref<1x768xf32, #tpu.memory_space<vmem>>, vector<1x768xf32>
      %add3A_118 = arith.addf %get3A_117, %broadcast_in_dim3A : vector<1x768xf32>
      %swap3A_119 = arith.constant 0 : index
      %swap3A_120 = arith.constant 0 : index
      %swap3A_121 = vector.load %arg12[%swap3A_119, %swap3A_120] : memref<1x768xf32, #tpu.memory_space<vmem>>, vector<1x768xf32>
      tpu.vector_store %arg12[%swap3A_119, %swap3A_120], %add3A_118 {strides = array<i32>} : memref<1x768xf32, #tpu.memory_space<vmem>>, vector<1x768xf32>,
    } else {
    }
    return
  }
  func.func @transform_0(%arg0: i32) -> (i32, i32) {
    %c0_i32 = arith.constant 0 : i32
    %c0_i32_0 = arith.constant 0 : i32
    return %arg0, %c0_i32 : i32, i32
  }
  func.func @transform_1(%arg0: i32) -> (i32, i32) {
    %c0_i32 = arith.constant 0 : i32
    %c0_i32_0 = arith.constant 0 : i32
    return %arg0, %c0_i32 : i32, i32
  }
  func.func @transform_2(%arg0: i32) -> (i32, i32) {
    %c0_i32 = arith.constant 0 : i32
    %c0_i32_0 = arith.constant 0 : i32
    return %arg0, %c0_i32 : i32, i32
  }
  func.func @transform_3(%arg0: i32) -> (i32, i32) {
    %c0_i32 = arith.constant 0 : i32
    %c0_i32_0 = arith.constant 0 : i32
    %c0_i32_1 = arith.constant 0 : i32
    return %c0_i32, %c0_i32_0 : i32, i32
  }
  func.func @transform_4(%arg0: i32) -> (i32, i32) {
    %c0_i32 = arith.constant 0 : i32
    %c0_i32_0 = arith.constant 0 : i32
    %c0_i32_1 = arith.constant 0 : i32
    return %c0_i32, %c0_i32_0 : i32, i32
  }
  func.func @transform_5(%arg0: i32) -> (i32, i32) {
    %c0_i32 = arith.constant 0 : i32
    %c0_i32_0 = arith.constant 0 : i32
    %c0_i32_1 = arith.constant 0 : i32
    return %c0_i32, %c0_i32_0 : i32, i32
  }
  func.func @transform_6(%arg0: i32) -> (i32, i32) {
    %c0_i32 = arith.constant 0 : i32
    %c0_i32_0 = arith.constant 0 : i32
    return %arg0, %c0_i32 : i32, i32
  }
  func.func @transform_7(%arg0: i32) -> (i32, i32) {
    %c0_i32 = arith.constant 0 : i32
    %c0_i32_0 = arith.constant 0 : i32
    return %arg0, %c0_i32 : i32, i32
  }
  func.func @transform_8(%arg0: i32) -> (i32, i32) {
    %c0_i32 = arith.constant 0 : i32
    %c0_i32_0 = arith.constant 0 : i32
    return %arg0, %c0_i32 : i32, i32
  }
  func.func @transform_9(%arg0: i32) -> (i32, i32) {
    %c0_i32 = arith.constant 0 : i32
    %c0_i32_0 = arith.constant 0 : i32
    return %arg0, %c0_i32 : i32, i32
  }
  func.func @transform_10(%arg0: i32) -> (i32, i32) {
    %c0_i32 = arith.constant 0 : i32
    %c0_i32_0 = arith.constant 0 : i32
    return %arg0, %c0_i32 : i32, i32
  }
  func.func @transform_11(%arg0: i32) -> (i32, i32) {
    %c0_i32 = arith.constant 0 : i32
    %c0_i32_0 = arith.constant 0 : i32
    %c0_i32_1 = arith.constant 0 : i32
    return %c0_i32, %c0_i32_0 : i32, i32
  }
}

module attributes {stable_mosaic.version = 14 : i64} {
  func.func @_attn_a_body(%arg0: i32, %arg1: memref<512x768xbf16, #tpu.memory_space<vmem>>, %arg2: memref<2048x768xf32, #tpu.memory_space<vmem>>, %arg3: memref<2048x768xf32, #tpu.memory_space<vmem>>, %arg4: memref<1x768xf32, #tpu.memory_space<vmem>>, %arg5: memref<768x768xbf16, #tpu.memory_space<vmem>>, %arg6: memref<512x768xf32, #tpu.memory_space<vmem>>, %arg7: memref<512x12xf32, #tpu.memory_space<vmem>>, %arg8: memref<8x768xf32, #tpu.memory_space<vmem>>) attributes {dimension_semantics = [#tpu.dimension_semantics<arbitrary>], iteration_bounds = array<i64: 4>, scalar_prefetch = 0 : i64, scratch_operands = 0 : i64, tpu.core_type = #tpu.core_type<tc>, window_params = [{transform_indices = @transform_0, window_bounds = array<i64: 512, 768>}, {pipeline_mode = #tpu.pipeline_mode<synchronous>, transform_indices = @transform_1, window_bounds = array<i64: 2048, 768>}, {pipeline_mode = #tpu.pipeline_mode<synchronous>, transform_indices = @transform_2, window_bounds = array<i64: 2048, 768>}, {pipeline_mode = #tpu.pipeline_mode<synchronous>, transform_indices = @transform_3, window_bounds = array<i64: 1, 768>}, {pipeline_mode = #tpu.pipeline_mode<synchronous>, transform_indices = @transform_4, window_bounds = array<i64: 768, 768>}, {transform_indices = @transform_5, window_bounds = array<i64: 512, 768>}, {transform_indices = @transform_6, window_bounds = array<i64: 512, 12>}, {pipeline_mode = #tpu.pipeline_mode<synchronous>, transform_indices = @transform_7, window_bounds = array<i64: 8, 768>}]} {
    %mul3A = arith.constant 512 : i32
    %mul3A_0 = arith.muli %arg0, %mul3A : i32
    %get3A = arith.constant 0 : index
    %get3A_1 = arith.constant 0 : index
    %get3A_2 = vector.load %arg1[%get3A, %get3A_1] : memref<512x768xbf16, #tpu.memory_space<vmem>>, vector<512x768xbf16>
    %convert_element_type3A = arith.extf %get3A_2 : vector<512x768xbf16> to vector<512x768xf32>
    %iota3A = tpu.iota {dimensions = array<i32: 0>} : vector<768x12xi32>
    %iota3A_3 = tpu.iota {dimensions = array<i32: 1>} : vector<768x12xi32>
    %jit3A = arith.constant 64 : i32
    %div3A = vector.broadcast %jit3A : i32 to vector<768x12xi32>
    %div3A_4 = arith.divsi %iota3A, %div3A : vector<768x12xi32>
    %sign3A = arith.constant 0 : i32
    %sign3A_5 = vector.broadcast %sign3A : i32 to vector<768x12xi32>
    %sign3A_6 = arith.cmpi sgt, %iota3A, %sign3A_5 : vector<768x12xi32>
    %sign3A_7 = arith.extui %sign3A_6 : vector<768x12xi1> to vector<768x12xi32>
    %sign3A_8 = arith.constant 0 : i32
    %sign3A_9 = vector.broadcast %sign3A_8 : i32 to vector<768x12xi32>
    %sign3A_10 = arith.cmpi slt, %iota3A, %sign3A_9 : vector<768x12xi32>
    %sign3A_11 = arith.extui %sign3A_10 : vector<768x12xi1> to vector<768x12xi32>
    %sign3A_12 = arith.subi %sign3A_7, %sign3A_11 : vector<768x12xi32>
    %sign3A_13 = arith.constant 0 : i32
    %sign3A_14 = arith.cmpi sgt, %jit3A, %sign3A_13 : i32
    %sign3A_15 = arith.extui %sign3A_14 : i1 to i32
    %sign3A_16 = arith.constant 0 : i32
    %sign3A_17 = arith.cmpi slt, %jit3A, %sign3A_16 : i32
    %sign3A_18 = arith.extui %sign3A_17 : i1 to i32
    %sign3A_19 = arith.subi %sign3A_15, %sign3A_18 : i32
    %ne3A = vector.broadcast %sign3A_19 : i32 to vector<768x12xi32>
    %ne3A_20 = arith.cmpi ne, %sign3A_12, %ne3A : vector<768x12xi32>
    %rem3A = vector.broadcast %jit3A : i32 to vector<768x12xi32>
    %rem3A_21 = arith.remsi %iota3A, %rem3A : vector<768x12xi32>
    %ne3A_22 = arith.constant 0 : i32
    %ne3A_23 = vector.broadcast %ne3A_22 : i32 to vector<768x12xi32>
    %ne3A_24 = arith.cmpi ne, %rem3A_21, %ne3A_23 : vector<768x12xi32>
    %and3A = arith.andi %ne3A_20, %ne3A_24 : vector<768x12xi1>
    %sub3A = arith.constant 1 : i32
    %sub3A_25 = vector.broadcast %sub3A : i32 to vector<768x12xi32>
    %sub3A_26 = arith.subi %div3A_4, %sub3A_25 : vector<768x12xi32>
    %select_n3A = arith.select %and3A, %sub3A_26, %div3A_4 : vector<768x12xi1>, vector<768x12xi32>
    %eq3A = arith.cmpi eq, %select_n3A, %iota3A_3 : vector<768x12xi32>
    %convert_element_type3A_27 = arith.extui %eq3A : vector<768x12xi1> to vector<768x12xi32>
    %convert_element_type3A_28 = arith.sitofp %convert_element_type3A_27 : vector<768x12xi32> to vector<768x12xf32>
    %iota3A_29 = tpu.iota {dimensions = array<i32: 1>} : vector<12x768xi32>
    %iota3A_30 = tpu.iota {dimensions = array<i32: 0>} : vector<12x768xi32>
    %jit3A_31 = arith.constant 64 : i32
    %div3A_32 = vector.broadcast %jit3A_31 : i32 to vector<12x768xi32>
    %div3A_33 = arith.divsi %iota3A_29, %div3A_32 : vector<12x768xi32>
    %sign3A_34 = arith.constant 0 : i32
    %sign3A_35 = vector.broadcast %sign3A_34 : i32 to vector<12x768xi32>
    %sign3A_36 = arith.cmpi sgt, %iota3A_29, %sign3A_35 : vector<12x768xi32>
    %sign3A_37 = arith.extui %sign3A_36 : vector<12x768xi1> to vector<12x768xi32>
    %sign3A_38 = arith.constant 0 : i32
    %sign3A_39 = vector.broadcast %sign3A_38 : i32 to vector<12x768xi32>
    %sign3A_40 = arith.cmpi slt, %iota3A_29, %sign3A_39 : vector<12x768xi32>
    %sign3A_41 = arith.extui %sign3A_40 : vector<12x768xi1> to vector<12x768xi32>
    %sign3A_42 = arith.subi %sign3A_37, %sign3A_41 : vector<12x768xi32>
    %sign3A_43 = arith.constant 0 : i32
    %sign3A_44 = arith.cmpi sgt, %jit3A_31, %sign3A_43 : i32
    %sign3A_45 = arith.extui %sign3A_44 : i1 to i32
    %sign3A_46 = arith.constant 0 : i32
    %sign3A_47 = arith.cmpi slt, %jit3A_31, %sign3A_46 : i32
    %sign3A_48 = arith.extui %sign3A_47 : i1 to i32
    %sign3A_49 = arith.subi %sign3A_45, %sign3A_48 : i32
    %ne3A_50 = vector.broadcast %sign3A_49 : i32 to vector<12x768xi32>
    %ne3A_51 = arith.cmpi ne, %sign3A_42, %ne3A_50 : vector<12x768xi32>
    %rem3A_52 = vector.broadcast %jit3A_31 : i32 to vector<12x768xi32>
    %rem3A_53 = arith.remsi %iota3A_29, %rem3A_52 : vector<12x768xi32>
    %ne3A_54 = arith.constant 0 : i32
    %ne3A_55 = vector.broadcast %ne3A_54 : i32 to vector<12x768xi32>
    %ne3A_56 = arith.cmpi ne, %rem3A_53, %ne3A_55 : vector<12x768xi32>
    %and3A_57 = arith.andi %ne3A_51, %ne3A_56 : vector<12x768xi1>
    %sub3A_58 = arith.constant 1 : i32
    %sub3A_59 = vector.broadcast %sub3A_58 : i32 to vector<12x768xi32>
    %sub3A_60 = arith.subi %div3A_33, %sub3A_59 : vector<12x768xi32>
    %select_n3A_61 = arith.select %and3A_57, %sub3A_60, %div3A_33 : vector<12x768xi1>, vector<12x768xi32>
    %eq3A_62 = arith.cmpi eq, %select_n3A_61, %iota3A_30 : vector<12x768xi32>
    %convert_element_type3A_63 = arith.extui %eq3A_62 : vector<12x768xi1> to vector<12x768xi32>
    %convert_element_type3A_64 = arith.sitofp %convert_element_type3A_63 : vector<12x768xi32> to vector<12x768xf32>
    %broadcast_in_dim3A = arith.constant 0.000000e+00 : f32
    %broadcast_in_dim3A_65 = vector.broadcast %broadcast_in_dim3A : f32 to vector<1x768xf32>
    %multiple_of3A = tpu.assume_multiple %mul3A_0, 512 : i32
    %get3A_66 = arith.index_cast %multiple_of3A : i32 to index
    %get3A_67 = arith.constant 0 : index
    %get3A_68 = vector.load %arg2[%get3A_66, %get3A_67] : memref<2048x768xf32, #tpu.memory_space<vmem>>, vector<512x768xf32>
    %sub3A_69 = arith.constant 8 : i32
    %sub3A_70 = arith.subi %multiple_of3A, %sub3A_69 : i32
    %max3A = arith.constant 0 : i32
    %max3A_71 = arith.maxsi %sub3A_70, %max3A : i32
    %multiple_of3A_72 = tpu.assume_multiple %max3A_71, 8 : i32
    %get3A_73 = arith.index_cast %multiple_of3A_72 : i32 to index
    %get3A_74 = arith.constant 0 : index
    %get3A_75 = vector.load %arg2[%get3A_73, %get3A_74] : memref<2048x768xf32, #tpu.memory_space<vmem>>, vector<8x768xf32>
    %eq3A_76 = arith.constant 0 : i32
    %eq3A_77 = arith.cmpi eq, %arg0, %eq3A_76 : i32
    %slice3A = vector.extract_strided_slice %get3A_75 {offsets = [7, 0], sizes = [1, 768], strides = [1, 1]} : vector<8x768xf32> to vector<1x768xf32>
    %select_n3A_78 = arith.select %eq3A_77, %broadcast_in_dim3A_65, %slice3A : vector<1x768xf32>
    %add3A = arith.constant 512 : i32
    %add3A_79 = arith.addi %multiple_of3A, %add3A : i32
    %min3A = arith.constant 2040 : i32
    %min3A_80 = arith.minsi %add3A_79, %min3A : i32
    %multiple_of3A_81 = tpu.assume_multiple %min3A_80, 8 : i32
    %get3A_82 = arith.index_cast %multiple_of3A_81 : i32 to index
    %get3A_83 = arith.constant 0 : index
    %get3A_84 = vector.load %arg2[%get3A_82, %get3A_83] : memref<2048x768xf32, #tpu.memory_space<vmem>>, vector<8x768xf32>
    %eq3A_85 = arith.constant 3 : i32
    %eq3A_86 = arith.cmpi eq, %arg0, %eq3A_85 : i32
    %slice3A_87 = vector.extract_strided_slice %get3A_84 {offsets = [0, 0], sizes = [1, 768], strides = [1, 1]} : vector<8x768xf32> to vector<1x768xf32>
    %select_n3A_88 = arith.select %eq3A_86, %broadcast_in_dim3A_65, %slice3A_87 : vector<1x768xf32>
    %slice3A_89 = vector.extract_strided_slice %get3A_68 {offsets = [0, 0], sizes = [511, 768], strides = [1, 1]} : vector<512x768xf32> to vector<511x768xf32>
    %concatenate3A = tpu.concatenate %select_n3A_78, %slice3A_89 in 0 : vector<1x768xf32>, vector<511x768xf32> -> vector<512x768xf32>
    %slice3A_90 = vector.extract_strided_slice %get3A_68 {offsets = [1, 0], sizes = [511, 768], strides = [1, 1]} : vector<512x768xf32> to vector<511x768xf32>
    %concatenate3A_91 = tpu.concatenate %slice3A_90, %select_n3A_88 in 0 : vector<511x768xf32>, vector<1x768xf32> -> vector<512x768xf32>
    %get3A_92 = arith.index_cast %multiple_of3A : i32 to index
    %get3A_93 = arith.constant 0 : index
    %get3A_94 = vector.load %arg3[%get3A_92, %get3A_93] : memref<2048x768xf32, #tpu.memory_space<vmem>>, vector<512x768xf32>
    %sub3A_95 = arith.constant 8 : i32
    %sub3A_96 = arith.subi %multiple_of3A, %sub3A_95 : i32
    %max3A_97 = arith.constant 0 : i32
    %max3A_98 = arith.maxsi %sub3A_96, %max3A_97 : i32
    %multiple_of3A_99 = tpu.assume_multiple %max3A_98, 8 : i32
    %get3A_100 = arith.index_cast %multiple_of3A_99 : i32 to index
    %get3A_101 = arith.constant 0 : index
    %get3A_102 = vector.load %arg3[%get3A_100, %get3A_101] : memref<2048x768xf32, #tpu.memory_space<vmem>>, vector<8x768xf32>
    %eq3A_103 = arith.constant 0 : i32
    %eq3A_104 = arith.cmpi eq, %arg0, %eq3A_103 : i32
    %slice3A_105 = vector.extract_strided_slice %get3A_102 {offsets = [7, 0], sizes = [1, 768], strides = [1, 1]} : vector<8x768xf32> to vector<1x768xf32>
    %select_n3A_106 = arith.select %eq3A_104, %broadcast_in_dim3A_65, %slice3A_105 : vector<1x768xf32>
    %add3A_107 = arith.constant 512 : i32
    %add3A_108 = arith.addi %multiple_of3A, %add3A_107 : i32
    %min3A_109 = arith.constant 2040 : i32
    %min3A_110 = arith.minsi %add3A_108, %min3A_109 : i32
    %multiple_of3A_111 = tpu.assume_multiple %min3A_110, 8 : i32
    %get3A_112 = arith.index_cast %multiple_of3A_111 : i32 to index
    %get3A_113 = arith.constant 0 : index
    %get3A_114 = vector.load %arg3[%get3A_112, %get3A_113] : memref<2048x768xf32, #tpu.memory_space<vmem>>, vector<8x768xf32>
    %eq3A_115 = arith.constant 3 : i32
    %eq3A_116 = arith.cmpi eq, %arg0, %eq3A_115 : i32
    %slice3A_117 = vector.extract_strided_slice %get3A_114 {offsets = [0, 0], sizes = [1, 768], strides = [1, 1]} : vector<8x768xf32> to vector<1x768xf32>
    %select_n3A_118 = arith.select %eq3A_116, %broadcast_in_dim3A_65, %slice3A_117 : vector<1x768xf32>
    %slice3A_119 = vector.extract_strided_slice %get3A_94 {offsets = [0, 0], sizes = [511, 768], strides = [1, 1]} : vector<512x768xf32> to vector<511x768xf32>
    %concatenate3A_120 = tpu.concatenate %select_n3A_106, %slice3A_119 in 0 : vector<1x768xf32>, vector<511x768xf32> -> vector<512x768xf32>
    %slice3A_121 = vector.extract_strided_slice %get3A_94 {offsets = [1, 0], sizes = [511, 768], strides = [1, 1]} : vector<512x768xf32> to vector<511x768xf32>
    %concatenate3A_122 = tpu.concatenate %slice3A_121, %select_n3A_118 in 0 : vector<511x768xf32>, vector<1x768xf32> -> vector<512x768xf32>
    %get3A_123 = arith.constant 0 : index
    %get3A_124 = arith.constant 0 : index
    %get3A_125 = vector.load %arg2[%get3A_123, %get3A_124] : memref<2048x768xf32, #tpu.memory_space<vmem>>, vector<1x768xf32>
    %get3A_126 = arith.constant 0 : index
    %get3A_127 = arith.constant 0 : index
    %get3A_128 = vector.load %arg3[%get3A_126, %get3A_127] : memref<2048x768xf32, #tpu.memory_space<vmem>>, vector<1x768xf32>
    %iota3A_129 = tpu.iota {dimensions = array<i32: 0>} : vector<512x1xi32>
    %add3A_130 = vector.broadcast %multiple_of3A : i32 to vector<512x1xi32>
    %add3A_131 = arith.addi %add3A_130, %iota3A_129 : vector<512x1xi32>
    %mul3A_132 = vector.broadcast %get3A_125 : vector<1x768xf32> to vector<512x768xf32>
    %mul3A_133 = arith.mulf %convert_element_type3A, %mul3A_132 : vector<512x768xf32>
    %dot_general3A = arith.constant dense<0.000000e+00> : vector<512x12xf32>
    %dot_general3A_134 = tpu.matmul %mul3A_133, %convert_element_type3A_28, %dot_general3A {dimension_numbers = #tpu.dot_dimension_numbers<[1], [0], [0], [1], [0, 0, 1, 1], [], []>, transpose_lhs_hint = false} : vector<512x768xf32>, vector<768x12xf32>, vector<512x12xf32> -> vector<512x12xf32>
    %mul3A_135 = arith.constant 1.250000e-01 : f32
    %mul3A_136 = vector.broadcast %mul3A_135 : f32 to vector<512x12xf32>
    %mul3A_137 = arith.mulf %dot_general3A_134, %mul3A_136 : vector<512x12xf32>
    %exp3A = math.exp %mul3A_137 : vector<512x12xf32>
    %sub3A_138 = arith.constant 1.000000e+00 : f32
    %sub3A_139 = vector.broadcast %sub3A_138 : f32 to vector<512x12xf32>
    %sub3A_140 = arith.subf %exp3A, %sub3A_139 : vector<512x12xf32>
    %ne3A_141 = arith.constant 1 : i32
    %ne3A_142 = vector.broadcast %ne3A_141 : i32 to vector<512x1xi32>
    %ne3A_143 = arith.cmpi ne, %add3A_131, %ne3A_142 : vector<512x1xi32>
    %convert_element_type3A_144 = arith.extui %ne3A_143 : vector<512x1xi1> to vector<512x1xi32>
    %convert_element_type3A_145 = arith.sitofp %convert_element_type3A_144 : vector<512x1xi32> to vector<512x1xf32>
    %mul3A_146 = vector.broadcast %convert_element_type3A_145 : vector<512x1xf32> to vector<512x12xf32>
    %mul3A_147 = arith.mulf %sub3A_140, %mul3A_146 : vector<512x12xf32>
    %mul3A_148 = arith.mulf %convert_element_type3A, %concatenate3A : vector<512x768xf32>
    %dot_general3A_149 = arith.constant dense<0.000000e+00> : vector<512x12xf32>
    %dot_general3A_150 = tpu.matmul %mul3A_148, %convert_element_type3A_28, %dot_general3A_149 {dimension_numbers = #tpu.dot_dimension_numbers<[1], [0], [0], [1], [0, 0, 1, 1], [], []>, transpose_lhs_hint = false} : vector<512x768xf32>, vector<768x12xf32>, vector<512x12xf32> -> vector<512x12xf32>
    %mul3A_151 = arith.constant 1.250000e-01 : f32
    %mul3A_152 = vector.broadcast %mul3A_151 : f32 to vector<512x12xf32>
    %mul3A_153 = arith.mulf %dot_general3A_150, %mul3A_152 : vector<512x12xf32>
    %exp3A_154 = math.exp %mul3A_153 : vector<512x12xf32>
    %sub3A_155 = arith.constant 1.000000e+00 : f32
    %sub3A_156 = vector.broadcast %sub3A_155 : f32 to vector<512x12xf32>
    %sub3A_157 = arith.subf %exp3A_154, %sub3A_156 : vector<512x12xf32>
    %mul3A_158 = arith.mulf %convert_element_type3A, %get3A_68 : vector<512x768xf32>
    %dot_general3A_159 = arith.constant dense<0.000000e+00> : vector<512x12xf32>
    %dot_general3A_160 = tpu.matmul %mul3A_158, %convert_element_type3A_28, %dot_general3A_159 {dimension_numbers = #tpu.dot_dimension_numbers<[1], [0], [0], [1], [0, 0, 1, 1], [], []>, transpose_lhs_hint = false} : vector<512x768xf32>, vector<768x12xf32>, vector<512x12xf32> -> vector<512x12xf32>
    %mul3A_161 = arith.constant 1.250000e-01 : f32
    %mul3A_162 = vector.broadcast %mul3A_161 : f32 to vector<512x12xf32>
    %mul3A_163 = arith.mulf %dot_general3A_160, %mul3A_162 : vector<512x12xf32>
    %exp3A_164 = math.exp %mul3A_163 : vector<512x12xf32>
    %sub3A_165 = arith.constant 1.000000e+00 : f32
    %sub3A_166 = vector.broadcast %sub3A_165 : f32 to vector<512x12xf32>
    %sub3A_167 = arith.subf %exp3A_164, %sub3A_166 : vector<512x12xf32>
    %mul3A_168 = arith.mulf %convert_element_type3A, %concatenate3A_91 : vector<512x768xf32>
    %dot_general3A_169 = arith.constant dense<0.000000e+00> : vector<512x12xf32>
    %dot_general3A_170 = tpu.matmul %mul3A_168, %convert_element_type3A_28, %dot_general3A_169 {dimension_numbers = #tpu.dot_dimension_numbers<[1], [0], [0], [1], [0, 0, 1, 1], [], []>, transpose_lhs_hint = false} : vector<512x768xf32>, vector<768x12xf32>, vector<512x12xf32> -> vector<512x12xf32>
    %mul3A_171 = arith.constant 1.250000e-01 : f32
    %mul3A_172 = vector.broadcast %mul3A_171 : f32 to vector<512x12xf32>
    %mul3A_173 = arith.mulf %dot_general3A_170, %mul3A_172 : vector<512x12xf32>
    %exp3A_174 = math.exp %mul3A_173 : vector<512x12xf32>
    %sub3A_175 = arith.constant 1.000000e+00 : f32
    %sub3A_176 = vector.broadcast %sub3A_175 : f32 to vector<512x12xf32>
    %sub3A_177 = arith.subf %exp3A_174, %sub3A_176 : vector<512x12xf32>
    %add3A_178 = arith.constant 2.048000e+03 : f32
    %add3A_179 = vector.broadcast %add3A_178 : f32 to vector<512x12xf32>
    %add3A_180 = arith.addf %add3A_179, %mul3A_147 : vector<512x12xf32>
    %add3A_181 = arith.addf %add3A_180, %sub3A_157 : vector<512x12xf32>
    %add3A_182 = arith.addf %add3A_181, %sub3A_167 : vector<512x12xf32>
    %add3A_183 = arith.addf %add3A_182, %sub3A_177 : vector<512x12xf32>
    %swap3A = arith.constant 0 : index
    %swap3A_184 = arith.constant 0 : index
    %swap3A_185 = vector.load %arg7[%swap3A, %swap3A_184] : memref<512x12xf32, #tpu.memory_space<vmem>>, vector<512x12xf32>
    tpu.vector_store %arg7[%swap3A, %swap3A_184], %add3A_183 {strides = array<i32>} : memref<512x12xf32, #tpu.memory_space<vmem>>, vector<512x12xf32>,
    %get3A_186 = arith.constant 0 : index
    %get3A_187 = arith.constant 0 : index
    %get3A_188 = vector.load %arg4[%get3A_186, %get3A_187] : memref<1x768xf32, #tpu.memory_space<vmem>>, vector<1x768xf32>
    %dot_general3A_189 = arith.constant dense<0.000000e+00> : vector<512x768xf32>
    %dot_general3A_190 = tpu.matmul %mul3A_147, %convert_element_type3A_64, %dot_general3A_189 {dimension_numbers = #tpu.dot_dimension_numbers<[1], [0], [0], [1], [0, 0, 1, 1], [], []>, transpose_lhs_hint = false} : vector<512x12xf32>, vector<12x768xf32>, vector<512x768xf32> -> vector<512x768xf32>
    %mul3A_191 = vector.broadcast %get3A_128 : vector<1x768xf32> to vector<512x768xf32>
    %mul3A_192 = arith.mulf %dot_general3A_190, %mul3A_191 : vector<512x768xf32>
    %add3A_193 = vector.broadcast %get3A_188 : vector<1x768xf32> to vector<512x768xf32>
    %add3A_194 = arith.addf %add3A_193, %mul3A_192 : vector<512x768xf32>
    %dot_general3A_195 = arith.constant dense<0.000000e+00> : vector<512x768xf32>
    %dot_general3A_196 = tpu.matmul %sub3A_157, %convert_element_type3A_64, %dot_general3A_195 {dimension_numbers = #tpu.dot_dimension_numbers<[1], [0], [0], [1], [0, 0, 1, 1], [], []>, transpose_lhs_hint = false} : vector<512x12xf32>, vector<12x768xf32>, vector<512x768xf32> -> vector<512x768xf32>
    %mul3A_197 = arith.mulf %dot_general3A_196, %concatenate3A_120 : vector<512x768xf32>
    %add3A_198 = arith.addf %add3A_194, %mul3A_197 : vector<512x768xf32>
    %dot_general3A_199 = arith.constant dense<0.000000e+00> : vector<512x768xf32>
    %dot_general3A_200 = tpu.matmul %sub3A_167, %convert_element_type3A_64, %dot_general3A_199 {dimension_numbers = #tpu.dot_dimension_numbers<[1], [0], [0], [1], [0, 0, 1, 1], [], []>, transpose_lhs_hint = false} : vector<512x12xf32>, vector<12x768xf32>, vector<512x768xf32> -> vector<512x768xf32>
    %mul3A_201 = arith.mulf %dot_general3A_200, %get3A_94 : vector<512x768xf32>
    %add3A_202 = arith.addf %add3A_198, %mul3A_201 : vector<512x768xf32>
    %dot_general3A_203 = arith.constant dense<0.000000e+00> : vector<512x768xf32>
    %dot_general3A_204 = tpu.matmul %sub3A_177, %convert_element_type3A_64, %dot_general3A_203 {dimension_numbers = #tpu.dot_dimension_numbers<[1], [0], [0], [1], [0, 0, 1, 1], [], []>, transpose_lhs_hint = false} : vector<512x12xf32>, vector<12x768xf32>, vector<512x768xf32> -> vector<512x768xf32>
    %mul3A_205 = arith.mulf %dot_general3A_204, %concatenate3A_122 : vector<512x768xf32>
    %add3A_206 = arith.addf %add3A_202, %mul3A_205 : vector<512x768xf32>
    %swap3A_207 = arith.constant 0 : index
    %swap3A_208 = arith.constant 0 : index
    %swap3A_209 = vector.load %arg6[%swap3A_207, %swap3A_208] : memref<512x768xf32, #tpu.memory_space<vmem>>, vector<512x768xf32>
    tpu.vector_store %arg6[%swap3A_207, %swap3A_208], %add3A_206 {strides = array<i32>} : memref<512x768xf32, #tpu.memory_space<vmem>>, vector<512x768xf32>,
    %eq3A_210 = arith.constant 0 : i32
    %eq3A_211 = arith.cmpi eq, %arg0, %eq3A_210 : i32
    %convert_element_type3A_212 = arith.extui %eq3A_211 : i1 to i32
    %cond3A = arith.constant 0 : i32
    %cond3A_213 = arith.cmpi ne, %convert_element_type3A_212, %cond3A : i32
    scf.if %cond3A_213 {
      %slice3A_219 = vector.extract_strided_slice %convert_element_type3A {offsets = [0, 0], sizes = [1, 768], strides = [1, 1]} : vector<512x768xf32> to vector<1x768xf32>
      %get3A_220 = arith.constant 0 : index
      %get3A_221 = arith.constant 0 : index
      %get3A_222 = vector.load %arg2[%get3A_220, %get3A_221] : memref<2048x768xf32, #tpu.memory_space<vmem>>, vector<2048x768xf32>
      %get3A_223 = arith.constant 0 : index
      %get3A_224 = arith.constant 0 : index
      %get3A_225 = vector.load %arg3[%get3A_223, %get3A_224] : memref<2048x768xf32, #tpu.memory_space<vmem>>, vector<2048x768xf32>
      %mul3A_226 = vector.broadcast %slice3A_219 : vector<1x768xf32> to vector<2048x768xf32>
      %mul3A_227 = arith.mulf %get3A_222, %mul3A_226 : vector<2048x768xf32>
      %dot_general3A_228 = arith.constant dense<0.000000e+00> : vector<2048x12xf32>
      %dot_general3A_229 = tpu.matmul %mul3A_227, %convert_element_type3A_28, %dot_general3A_228 {dimension_numbers = #tpu.dot_dimension_numbers<[1], [0], [0], [1], [0, 0, 1, 1], [], []>, transpose_lhs_hint = false} : vector<2048x768xf32>, vector<768x12xf32>, vector<2048x12xf32> -> vector<2048x12xf32>
      %mul3A_230 = arith.constant 1.250000e-01 : f32
      %mul3A_231 = vector.broadcast %mul3A_230 : f32 to vector<2048x12xf32>
      %mul3A_232 = arith.mulf %dot_general3A_229, %mul3A_231 : vector<2048x12xf32>
      %reduce_max3A = arith.constant dense<0xFF800000> : vector<12xf32>
      %reduce_max3A_233 = vector.multi_reduction <maximumf>, %mul3A_232, %reduce_max3A [0] : vector<2048x12xf32> to vector<12xf32>
      %broadcast_in_dim3A_234 = vector.shape_cast %reduce_max3A_233 : vector<12xf32> to vector<1x12xf32>
      %sub3A_235 = vector.broadcast %broadcast_in_dim3A_234 : vector<1x12xf32> to vector<2048x12xf32>
      %sub3A_236 = arith.subf %mul3A_232, %sub3A_235 : vector<2048x12xf32>
      %exp3A_237 = math.exp %sub3A_236 : vector<2048x12xf32>
      %reduce_sum3A = arith.constant dense<0.000000e+00> : vector<12xf32>
      %reduce_sum3A_238 = vector.multi_reduction <add>, %exp3A_237, %reduce_sum3A [0] : vector<2048x12xf32> to vector<12xf32>
      %broadcast_in_dim3A_239 = vector.shape_cast %reduce_sum3A_238 : vector<12xf32> to vector<1x12xf32>
      %div3A_240 = vector.broadcast %broadcast_in_dim3A_239 : vector<1x12xf32> to vector<2048x12xf32>
      %div3A_241 = arith.divf %exp3A_237, %div3A_240 : vector<2048x12xf32>
      %dot_general3A_242 = arith.constant dense<0.000000e+00> : vector<2048x768xf32>
      %dot_general3A_243 = tpu.matmul %div3A_241, %convert_element_type3A_64, %dot_general3A_242 {dimension_numbers = #tpu.dot_dimension_numbers<[1], [0], [0], [1], [0, 0, 1, 1], [], []>, transpose_lhs_hint = false} : vector<2048x12xf32>, vector<12x768xf32>, vector<2048x768xf32> -> vector<2048x768xf32>
      %mul3A_244 = arith.mulf %dot_general3A_243, %get3A_225 : vector<2048x768xf32>
      %reduce_sum3A_245 = arith.constant dense<0.000000e+00> : vector<768xf32>
      %reduce_sum3A_246 = vector.multi_reduction <add>, %mul3A_244, %reduce_sum3A_245 [0] : vector<2048x768xf32> to vector<768xf32>
      %broadcast_in_dim3A_247 = vector.shape_cast %reduce_sum3A_246 : vector<768xf32> to vector<1x768xf32>
      %convert_element_type3A_248 = arith.truncf %broadcast_in_dim3A_247 : vector<1x768xf32> to vector<1x768xbf16>
      %get3A_249 = arith.constant 0 : index
      %get3A_250 = arith.constant 0 : index
      %get3A_251 = vector.load %arg5[%get3A_249, %get3A_250] : memref<768x768xbf16, #tpu.memory_space<vmem>>, vector<768x768xbf16>
      %dot_general3A_252 = arith.constant dense<0.000000e+00> : vector<1x768xf32>
      %dot_general3A_253 = tpu.matmul %convert_element_type3A_248, %get3A_251, %dot_general3A_252 {dimension_numbers = #tpu.dot_dimension_numbers<[1], [1], [0], [0], [0, 0, 1, 0], [], []>, transpose_lhs_hint = false} : vector<1x768xbf16>, vector<768x768xbf16>, vector<1x768xf32> -> vector<1x768xf32>
      %swap3A_254 = arith.constant 0 : index
      %swap3A_255 = arith.constant 0 : index
      %swap3A_256 = vector.load %arg8[%swap3A_254, %swap3A_255] : memref<8x768xf32, #tpu.memory_space<vmem>>, vector<1x768xf32>
      tpu.vector_store %arg8[%swap3A_254, %swap3A_255], %dot_general3A_253 {strides = array<i32>} : memref<8x768xf32, #tpu.memory_space<vmem>>, vector<1x768xf32>,
    } else {
    }
    %eq3A_214 = arith.constant 3 : i32
    %eq3A_215 = arith.cmpi eq, %arg0, %eq3A_214 : i32
    %convert_element_type3A_216 = arith.extui %eq3A_215 : i1 to i32
    %cond3A_217 = arith.constant 0 : i32
    %cond3A_218 = arith.cmpi ne, %convert_element_type3A_216, %cond3A_217 : i32
    scf.if %cond3A_218 {
      %slice3A_219 = vector.extract_strided_slice %convert_element_type3A {offsets = [511, 0], sizes = [1, 768], strides = [1, 1]} : vector<512x768xf32> to vector<1x768xf32>
      %get3A_220 = arith.constant 0 : index
      %get3A_221 = arith.constant 0 : index
      %get3A_222 = vector.load %arg2[%get3A_220, %get3A_221] : memref<2048x768xf32, #tpu.memory_space<vmem>>, vector<2048x768xf32>
      %get3A_223 = arith.constant 0 : index
      %get3A_224 = arith.constant 0 : index
      %get3A_225 = vector.load %arg3[%get3A_223, %get3A_224] : memref<2048x768xf32, #tpu.memory_space<vmem>>, vector<2048x768xf32>
      %mul3A_226 = vector.broadcast %slice3A_219 : vector<1x768xf32> to vector<2048x768xf32>
      %mul3A_227 = arith.mulf %get3A_222, %mul3A_226 : vector<2048x768xf32>
      %dot_general3A_228 = arith.constant dense<0.000000e+00> : vector<2048x12xf32>
      %dot_general3A_229 = tpu.matmul %mul3A_227, %convert_element_type3A_28, %dot_general3A_228 {dimension_numbers = #tpu.dot_dimension_numbers<[1], [0], [0], [1], [0, 0, 1, 1], [], []>, transpose_lhs_hint = false} : vector<2048x768xf32>, vector<768x12xf32>, vector<2048x12xf32> -> vector<2048x12xf32>
      %mul3A_230 = arith.constant 1.250000e-01 : f32
      %mul3A_231 = vector.broadcast %mul3A_230 : f32 to vector<2048x12xf32>
      %mul3A_232 = arith.mulf %dot_general3A_229, %mul3A_231 : vector<2048x12xf32>
      %reduce_max3A = arith.constant dense<0xFF800000> : vector<12xf32>
      %reduce_max3A_233 = vector.multi_reduction <maximumf>, %mul3A_232, %reduce_max3A [0] : vector<2048x12xf32> to vector<12xf32>
      %broadcast_in_dim3A_234 = vector.shape_cast %reduce_max3A_233 : vector<12xf32> to vector<1x12xf32>
      %sub3A_235 = vector.broadcast %broadcast_in_dim3A_234 : vector<1x12xf32> to vector<2048x12xf32>
      %sub3A_236 = arith.subf %mul3A_232, %sub3A_235 : vector<2048x12xf32>
      %exp3A_237 = math.exp %sub3A_236 : vector<2048x12xf32>
      %reduce_sum3A = arith.constant dense<0.000000e+00> : vector<12xf32>
      %reduce_sum3A_238 = vector.multi_reduction <add>, %exp3A_237, %reduce_sum3A [0] : vector<2048x12xf32> to vector<12xf32>
      %broadcast_in_dim3A_239 = vector.shape_cast %reduce_sum3A_238 : vector<12xf32> to vector<1x12xf32>
      %div3A_240 = vector.broadcast %broadcast_in_dim3A_239 : vector<1x12xf32> to vector<2048x12xf32>
      %div3A_241 = arith.divf %exp3A_237, %div3A_240 : vector<2048x12xf32>
      %dot_general3A_242 = arith.constant dense<0.000000e+00> : vector<2048x768xf32>
      %dot_general3A_243 = tpu.matmul %div3A_241, %convert_element_type3A_64, %dot_general3A_242 {dimension_numbers = #tpu.dot_dimension_numbers<[1], [0], [0], [1], [0, 0, 1, 1], [], []>, transpose_lhs_hint = false} : vector<2048x12xf32>, vector<12x768xf32>, vector<2048x768xf32> -> vector<2048x768xf32>
      %mul3A_244 = arith.mulf %dot_general3A_243, %get3A_225 : vector<2048x768xf32>
      %reduce_sum3A_245 = arith.constant dense<0.000000e+00> : vector<768xf32>
      %reduce_sum3A_246 = vector.multi_reduction <add>, %mul3A_244, %reduce_sum3A_245 [0] : vector<2048x768xf32> to vector<768xf32>
      %broadcast_in_dim3A_247 = vector.shape_cast %reduce_sum3A_246 : vector<768xf32> to vector<1x768xf32>
      %convert_element_type3A_248 = arith.truncf %broadcast_in_dim3A_247 : vector<1x768xf32> to vector<1x768xbf16>
      %get3A_249 = arith.constant 0 : index
      %get3A_250 = arith.constant 0 : index
      %get3A_251 = vector.load %arg5[%get3A_249, %get3A_250] : memref<768x768xbf16, #tpu.memory_space<vmem>>, vector<768x768xbf16>
      %dot_general3A_252 = arith.constant dense<0.000000e+00> : vector<1x768xf32>
      %dot_general3A_253 = tpu.matmul %convert_element_type3A_248, %get3A_251, %dot_general3A_252 {dimension_numbers = #tpu.dot_dimension_numbers<[1], [1], [0], [0], [0, 0, 1, 0], [], []>, transpose_lhs_hint = false} : vector<1x768xbf16>, vector<768x768xbf16>, vector<1x768xf32> -> vector<1x768xf32>
      %swap3A_254 = arith.constant 1 : index
      %swap3A_255 = arith.constant 0 : index
      %swap3A_256 = vector.load %arg8[%swap3A_254, %swap3A_255] : memref<8x768xf32, #tpu.memory_space<vmem>>, vector<1x768xf32>
      tpu.vector_store %arg8[%swap3A_254, %swap3A_255], %dot_general3A_253 {strides = array<i32>} : memref<8x768xf32, #tpu.memory_space<vmem>>, vector<1x768xf32>,
    } else {
    }
    return
  }
  func.func @transform_0(%arg0: i32) -> (i32, i32) {
    %c0_i32 = arith.constant 0 : i32
    %c0_i32_0 = arith.constant 0 : i32
    return %arg0, %c0_i32 : i32, i32
  }
  func.func @transform_1(%arg0: i32) -> (i32, i32) {
    %c0_i32 = arith.constant 0 : i32
    %c0_i32_0 = arith.constant 0 : i32
    %c0_i32_1 = arith.constant 0 : i32
    return %c0_i32, %c0_i32_0 : i32, i32
  }
  func.func @transform_2(%arg0: i32) -> (i32, i32) {
    %c0_i32 = arith.constant 0 : i32
    %c0_i32_0 = arith.constant 0 : i32
    %c0_i32_1 = arith.constant 0 : i32
    return %c0_i32, %c0_i32_0 : i32, i32
  }
  func.func @transform_3(%arg0: i32) -> (i32, i32) {
    %c0_i32 = arith.constant 0 : i32
    %c0_i32_0 = arith.constant 0 : i32
    %c0_i32_1 = arith.constant 0 : i32
    return %c0_i32, %c0_i32_0 : i32, i32
  }
  func.func @transform_4(%arg0: i32) -> (i32, i32) {
    %c0_i32 = arith.constant 0 : i32
    %c0_i32_0 = arith.constant 0 : i32
    %c0_i32_1 = arith.constant 0 : i32
    return %c0_i32, %c0_i32_0 : i32, i32
  }
  func.func @transform_5(%arg0: i32) -> (i32, i32) {
    %c0_i32 = arith.constant 0 : i32
    %c0_i32_0 = arith.constant 0 : i32
    return %arg0, %c0_i32 : i32, i32
  }
  func.func @transform_6(%arg0: i32) -> (i32, i32) {
    %c0_i32 = arith.constant 0 : i32
    %c0_i32_0 = arith.constant 0 : i32
    return %arg0, %c0_i32 : i32, i32
  }
  func.func @transform_7(%arg0: i32) -> (i32, i32) {
    %c0_i32 = arith.constant 0 : i32
    %c0_i32_0 = arith.constant 0 : i32
    %c0_i32_1 = arith.constant 0 : i32
    return %c0_i32, %c0_i32_0 : i32, i32
  }
}

module attributes {stable_mosaic.version = 14 : i64} {
  func.func @_attn_b_body(%arg0: i32, %arg1: memref<512x768xbf16, #tpu.memory_space<vmem>>, %arg2: memref<2x512x384xi32, #tpu.memory_space<vmem>>, %arg3: memref<2x512x384xi32, #tpu.memory_space<vmem>>, %arg4: memref<512x1xf32, #tpu.memory_space<vmem>>, %arg5: memref<512x768xf32, #tpu.memory_space<vmem>>, %arg6: memref<512x12xf32, #tpu.memory_space<vmem>>, %arg7: memref<8x768xf32, #tpu.memory_space<vmem>>, %arg8: memref<768x768xbf16, #tpu.memory_space<vmem>>, %arg9: memref<512x768xf32, #tpu.memory_space<vmem>>) attributes {dimension_semantics = [#tpu.dimension_semantics<arbitrary>], iteration_bounds = array<i64: 4>, scalar_prefetch = 0 : i64, scratch_operands = 0 : i64, tpu.core_type = #tpu.core_type<tc>, window_params = [{transform_indices = @transform_0, window_bounds = array<i64: 512, 768>}, {transform_indices = @transform_1, window_bounds = array<i64: 2, 512, 384>}, {transform_indices = @transform_2, window_bounds = array<i64: 2, 512, 384>}, {transform_indices = @transform_3, window_bounds = array<i64: 512, 1>}, {transform_indices = @transform_4, window_bounds = array<i64: 512, 768>}, {transform_indices = @transform_5, window_bounds = array<i64: 512, 12>}, {pipeline_mode = #tpu.pipeline_mode<synchronous>, transform_indices = @transform_6, window_bounds = array<i64: 8, 768>}, {pipeline_mode = #tpu.pipeline_mode<synchronous>, transform_indices = @transform_7, window_bounds = array<i64: 768, 768>}, {transform_indices = @transform_8, window_bounds = array<i64: 512, 768>}]} {
    %get3A = arith.constant 0 : index
    %get3A_0 = arith.constant 0 : index
    %get3A_1 = vector.load %arg1[%get3A, %get3A_0] : memref<512x768xbf16, #tpu.memory_space<vmem>>, vector<512x768xbf16>
    %convert_element_type3A = arith.extf %get3A_1 : vector<512x768xbf16> to vector<512x768xf32>
    %iota3A = tpu.iota {dimensions = array<i32: 0>} : vector<768x12xi32>
    %iota3A_2 = tpu.iota {dimensions = array<i32: 1>} : vector<768x12xi32>
    %jit3A = arith.constant 64 : i32
    %div3A = vector.broadcast %jit3A : i32 to vector<768x12xi32>
    %div3A_3 = arith.divsi %iota3A, %div3A : vector<768x12xi32>
    %sign3A = arith.constant 0 : i32
    %sign3A_4 = vector.broadcast %sign3A : i32 to vector<768x12xi32>
    %sign3A_5 = arith.cmpi sgt, %iota3A, %sign3A_4 : vector<768x12xi32>
    %sign3A_6 = arith.extui %sign3A_5 : vector<768x12xi1> to vector<768x12xi32>
    %sign3A_7 = arith.constant 0 : i32
    %sign3A_8 = vector.broadcast %sign3A_7 : i32 to vector<768x12xi32>
    %sign3A_9 = arith.cmpi slt, %iota3A, %sign3A_8 : vector<768x12xi32>
    %sign3A_10 = arith.extui %sign3A_9 : vector<768x12xi1> to vector<768x12xi32>
    %sign3A_11 = arith.subi %sign3A_6, %sign3A_10 : vector<768x12xi32>
    %sign3A_12 = arith.constant 0 : i32
    %sign3A_13 = arith.cmpi sgt, %jit3A, %sign3A_12 : i32
    %sign3A_14 = arith.extui %sign3A_13 : i1 to i32
    %sign3A_15 = arith.constant 0 : i32
    %sign3A_16 = arith.cmpi slt, %jit3A, %sign3A_15 : i32
    %sign3A_17 = arith.extui %sign3A_16 : i1 to i32
    %sign3A_18 = arith.subi %sign3A_14, %sign3A_17 : i32
    %ne3A = vector.broadcast %sign3A_18 : i32 to vector<768x12xi32>
    %ne3A_19 = arith.cmpi ne, %sign3A_11, %ne3A : vector<768x12xi32>
    %rem3A = vector.broadcast %jit3A : i32 to vector<768x12xi32>
    %rem3A_20 = arith.remsi %iota3A, %rem3A : vector<768x12xi32>
    %ne3A_21 = arith.constant 0 : i32
    %ne3A_22 = vector.broadcast %ne3A_21 : i32 to vector<768x12xi32>
    %ne3A_23 = arith.cmpi ne, %rem3A_20, %ne3A_22 : vector<768x12xi32>
    %and3A = arith.andi %ne3A_19, %ne3A_23 : vector<768x12xi1>
    %sub3A = arith.constant 1 : i32
    %sub3A_24 = vector.broadcast %sub3A : i32 to vector<768x12xi32>
    %sub3A_25 = arith.subi %div3A_3, %sub3A_24 : vector<768x12xi32>
    %select_n3A = arith.select %and3A, %sub3A_25, %div3A_3 : vector<768x12xi1>, vector<768x12xi32>
    %eq3A = arith.cmpi eq, %select_n3A, %iota3A_2 : vector<768x12xi32>
    %convert_element_type3A_26 = arith.extui %eq3A : vector<768x12xi1> to vector<768x12xi32>
    %convert_element_type3A_27 = arith.sitofp %convert_element_type3A_26 : vector<768x12xi32> to vector<768x12xf32>
    %iota3A_28 = tpu.iota {dimensions = array<i32: 1>} : vector<12x768xi32>
    %iota3A_29 = tpu.iota {dimensions = array<i32: 0>} : vector<12x768xi32>
    %jit3A_30 = arith.constant 64 : i32
    %div3A_31 = vector.broadcast %jit3A_30 : i32 to vector<12x768xi32>
    %div3A_32 = arith.divsi %iota3A_28, %div3A_31 : vector<12x768xi32>
    %sign3A_33 = arith.constant 0 : i32
    %sign3A_34 = vector.broadcast %sign3A_33 : i32 to vector<12x768xi32>
    %sign3A_35 = arith.cmpi sgt, %iota3A_28, %sign3A_34 : vector<12x768xi32>
    %sign3A_36 = arith.extui %sign3A_35 : vector<12x768xi1> to vector<12x768xi32>
    %sign3A_37 = arith.constant 0 : i32
    %sign3A_38 = vector.broadcast %sign3A_37 : i32 to vector<12x768xi32>
    %sign3A_39 = arith.cmpi slt, %iota3A_28, %sign3A_38 : vector<12x768xi32>
    %sign3A_40 = arith.extui %sign3A_39 : vector<12x768xi1> to vector<12x768xi32>
    %sign3A_41 = arith.subi %sign3A_36, %sign3A_40 : vector<12x768xi32>
    %sign3A_42 = arith.constant 0 : i32
    %sign3A_43 = arith.cmpi sgt, %jit3A_30, %sign3A_42 : i32
    %sign3A_44 = arith.extui %sign3A_43 : i1 to i32
    %sign3A_45 = arith.constant 0 : i32
    %sign3A_46 = arith.cmpi slt, %jit3A_30, %sign3A_45 : i32
    %sign3A_47 = arith.extui %sign3A_46 : i1 to i32
    %sign3A_48 = arith.subi %sign3A_44, %sign3A_47 : i32
    %ne3A_49 = vector.broadcast %sign3A_48 : i32 to vector<12x768xi32>
    %ne3A_50 = arith.cmpi ne, %sign3A_41, %ne3A_49 : vector<12x768xi32>
    %rem3A_51 = vector.broadcast %jit3A_30 : i32 to vector<12x768xi32>
    %rem3A_52 = arith.remsi %iota3A_28, %rem3A_51 : vector<12x768xi32>
    %ne3A_53 = arith.constant 0 : i32
    %ne3A_54 = vector.broadcast %ne3A_53 : i32 to vector<12x768xi32>
    %ne3A_55 = arith.cmpi ne, %rem3A_52, %ne3A_54 : vector<12x768xi32>
    %and3A_56 = arith.andi %ne3A_50, %ne3A_55 : vector<12x768xi1>
    %sub3A_57 = arith.constant 1 : i32
    %sub3A_58 = vector.broadcast %sub3A_57 : i32 to vector<12x768xi32>
    %sub3A_59 = arith.subi %div3A_32, %sub3A_58 : vector<12x768xi32>
    %select_n3A_60 = arith.select %and3A_56, %sub3A_59, %div3A_32 : vector<12x768xi1>, vector<12x768xi32>
    %eq3A_61 = arith.cmpi eq, %select_n3A_60, %iota3A_29 : vector<12x768xi32>
    %convert_element_type3A_62 = arith.extui %eq3A_61 : vector<12x768xi1> to vector<12x768xi32>
    %convert_element_type3A_63 = arith.sitofp %convert_element_type3A_62 : vector<12x768xi32> to vector<12x768xf32>
    %get3A_64 = arith.constant 0 : index
    %get3A_65 = arith.constant 0 : index
    %get3A_66 = arith.constant 0 : index
    %get3A_67 = vector.load %arg2[%get3A_64, %get3A_65, %get3A_66] : memref<2x512x384xi32, #tpu.memory_space<vmem>>, vector<1x512x384xi32>
    %get3A_68 = vector.shape_cast %get3A_67 : vector<1x512x384xi32> to vector<512x384xi32>
    %and3A_69 = arith.constant -65536 : i32
    %and3A_70 = vector.broadcast %and3A_69 : i32 to vector<512x384xi32>
    %and3A_71 = arith.andi %get3A_68, %and3A_70 : vector<512x384xi32>
    %bitcast_convert_type3A = tpu.bitcast %and3A_71 : vector<512x384xi32> -> vector<512x384xf32>
    %shift_left3A = arith.constant 16 : i32
    %shift_left3A_72 = vector.broadcast %shift_left3A : i32 to vector<512x384xi32>
    %shift_left3A_73 = arith.shli %get3A_68, %shift_left3A_72 : vector<512x384xi32>
    %bitcast_convert_type3A_74 = tpu.bitcast %shift_left3A_73 : vector<512x384xi32> -> vector<512x384xf32>
    %concatenate3A = tpu.concatenate %bitcast_convert_type3A, %bitcast_convert_type3A_74 in 1 : vector<512x384xf32>, vector<512x384xf32> -> vector<512x768xf32>
    %get3A_75 = arith.constant 1 : index
    %get3A_76 = arith.constant 0 : index
    %get3A_77 = arith.constant 0 : index
    %get3A_78 = vector.load %arg2[%get3A_75, %get3A_76, %get3A_77] : memref<2x512x384xi32, #tpu.memory_space<vmem>>, vector<1x512x384xi32>
    %get3A_79 = vector.shape_cast %get3A_78 : vector<1x512x384xi32> to vector<512x384xi32>
    %and3A_80 = arith.constant -65536 : i32
    %and3A_81 = vector.broadcast %and3A_80 : i32 to vector<512x384xi32>
    %and3A_82 = arith.andi %get3A_79, %and3A_81 : vector<512x384xi32>
    %bitcast_convert_type3A_83 = tpu.bitcast %and3A_82 : vector<512x384xi32> -> vector<512x384xf32>
    %shift_left3A_84 = arith.constant 16 : i32
    %shift_left3A_85 = vector.broadcast %shift_left3A_84 : i32 to vector<512x384xi32>
    %shift_left3A_86 = arith.shli %get3A_79, %shift_left3A_85 : vector<512x384xi32>
    %bitcast_convert_type3A_87 = tpu.bitcast %shift_left3A_86 : vector<512x384xi32> -> vector<512x384xf32>
    %concatenate3A_88 = tpu.concatenate %bitcast_convert_type3A_83, %bitcast_convert_type3A_87 in 1 : vector<512x384xf32>, vector<512x384xf32> -> vector<512x768xf32>
    %get3A_89 = arith.constant 0 : index
    %get3A_90 = arith.constant 0 : index
    %get3A_91 = arith.constant 0 : index
    %get3A_92 = vector.load %arg3[%get3A_89, %get3A_90, %get3A_91] : memref<2x512x384xi32, #tpu.memory_space<vmem>>, vector<1x512x384xi32>
    %get3A_93 = vector.shape_cast %get3A_92 : vector<1x512x384xi32> to vector<512x384xi32>
    %and3A_94 = arith.constant -65536 : i32
    %and3A_95 = vector.broadcast %and3A_94 : i32 to vector<512x384xi32>
    %and3A_96 = arith.andi %get3A_93, %and3A_95 : vector<512x384xi32>
    %bitcast_convert_type3A_97 = tpu.bitcast %and3A_96 : vector<512x384xi32> -> vector<512x384xf32>
    %shift_left3A_98 = arith.constant 16 : i32
    %shift_left3A_99 = vector.broadcast %shift_left3A_98 : i32 to vector<512x384xi32>
    %shift_left3A_100 = arith.shli %get3A_93, %shift_left3A_99 : vector<512x384xi32>
    %bitcast_convert_type3A_101 = tpu.bitcast %shift_left3A_100 : vector<512x384xi32> -> vector<512x384xf32>
    %concatenate3A_102 = tpu.concatenate %bitcast_convert_type3A_97, %bitcast_convert_type3A_101 in 1 : vector<512x384xf32>, vector<512x384xf32> -> vector<512x768xf32>
    %get3A_103 = arith.constant 1 : index
    %get3A_104 = arith.constant 0 : index
    %get3A_105 = arith.constant 0 : index
    %get3A_106 = vector.load %arg3[%get3A_103, %get3A_104, %get3A_105] : memref<2x512x384xi32, #tpu.memory_space<vmem>>, vector<1x512x384xi32>
    %get3A_107 = vector.shape_cast %get3A_106 : vector<1x512x384xi32> to vector<512x384xi32>
    %and3A_108 = arith.constant -65536 : i32
    %and3A_109 = vector.broadcast %and3A_108 : i32 to vector<512x384xi32>
    %and3A_110 = arith.andi %get3A_107, %and3A_109 : vector<512x384xi32>
    %bitcast_convert_type3A_111 = tpu.bitcast %and3A_110 : vector<512x384xi32> -> vector<512x384xf32>
    %shift_left3A_112 = arith.constant 16 : i32
    %shift_left3A_113 = vector.broadcast %shift_left3A_112 : i32 to vector<512x384xi32>
    %shift_left3A_114 = arith.shli %get3A_107, %shift_left3A_113 : vector<512x384xi32>
    %bitcast_convert_type3A_115 = tpu.bitcast %shift_left3A_114 : vector<512x384xi32> -> vector<512x384xf32>
    %concatenate3A_116 = tpu.concatenate %bitcast_convert_type3A_111, %bitcast_convert_type3A_115 in 1 : vector<512x384xf32>, vector<512x384xf32> -> vector<512x768xf32>
    %mul3A = arith.mulf %convert_element_type3A, %concatenate3A : vector<512x768xf32>
    %dot_general3A = arith.constant dense<0.000000e+00> : vector<512x12xf32>
    %dot_general3A_117 = tpu.matmul %mul3A, %convert_element_type3A_27, %dot_general3A {dimension_numbers = #tpu.dot_dimension_numbers<[1], [0], [0], [1], [0, 0, 1, 1], [], []>, transpose_lhs_hint = false} : vector<512x768xf32>, vector<768x12xf32>, vector<512x12xf32> -> vector<512x12xf32>
    %mul3A_118 = arith.constant 1.250000e-01 : f32
    %mul3A_119 = vector.broadcast %mul3A_118 : f32 to vector<512x12xf32>
    %mul3A_120 = arith.mulf %dot_general3A_117, %mul3A_119 : vector<512x12xf32>
    %exp3A = math.exp %mul3A_120 : vector<512x12xf32>
    %sub3A_121 = arith.constant 1.000000e+00 : f32
    %sub3A_122 = vector.broadcast %sub3A_121 : f32 to vector<512x12xf32>
    %sub3A_123 = arith.subf %exp3A, %sub3A_122 : vector<512x12xf32>
    %mul3A_124 = arith.mulf %convert_element_type3A, %concatenate3A_88 : vector<512x768xf32>
    %dot_general3A_125 = arith.constant dense<0.000000e+00> : vector<512x12xf32>
    %dot_general3A_126 = tpu.matmul %mul3A_124, %convert_element_type3A_27, %dot_general3A_125 {dimension_numbers = #tpu.dot_dimension_numbers<[1], [0], [0], [1], [0, 0, 1, 1], [], []>, transpose_lhs_hint = false} : vector<512x768xf32>, vector<768x12xf32>, vector<512x12xf32> -> vector<512x12xf32>
    %mul3A_127 = arith.constant 1.250000e-01 : f32
    %mul3A_128 = vector.broadcast %mul3A_127 : f32 to vector<512x12xf32>
    %mul3A_129 = arith.mulf %dot_general3A_126, %mul3A_128 : vector<512x12xf32>
    %exp3A_130 = math.exp %mul3A_129 : vector<512x12xf32>
    %sub3A_131 = arith.constant 1.000000e+00 : f32
    %sub3A_132 = vector.broadcast %sub3A_131 : f32 to vector<512x12xf32>
    %sub3A_133 = arith.subf %exp3A_130, %sub3A_132 : vector<512x12xf32>
    %get3A_134 = arith.constant 0 : index
    %get3A_135 = arith.constant 0 : index
    %get3A_136 = vector.load %arg4[%get3A_134, %get3A_135] : memref<512x1xf32, #tpu.memory_space<vmem>>, vector<512x1xf32>
    %mul3A_137 = vector.broadcast %get3A_136 : vector<512x1xf32> to vector<512x12xf32>
    %mul3A_138 = arith.mulf %sub3A_133, %mul3A_137 : vector<512x12xf32>
    %get3A_139 = arith.constant 0 : index
    %get3A_140 = arith.constant 0 : index
    %get3A_141 = vector.load %arg6[%get3A_139, %get3A_140] : memref<512x12xf32, #tpu.memory_space<vmem>>, vector<512x12xf32>
    %add3A = arith.addf %get3A_141, %sub3A_123 : vector<512x12xf32>
    %add3A_142 = arith.addf %add3A, %mul3A_138 : vector<512x12xf32>
    %div3A_143 = arith.constant 1.000000e+00 : f32
    %div3A_144 = vector.broadcast %div3A_143 : f32 to vector<512x12xf32>
    %div3A_145 = arith.divf %div3A_144, %add3A_142 : vector<512x12xf32>
    %get3A_146 = arith.constant 0 : index
    %get3A_147 = arith.constant 0 : index
    %get3A_148 = vector.load %arg5[%get3A_146, %get3A_147] : memref<512x768xf32, #tpu.memory_space<vmem>>, vector<512x768xf32>
    %dot_general3A_149 = arith.constant dense<0.000000e+00> : vector<512x768xf32>
    %dot_general3A_150 = tpu.matmul %sub3A_123, %convert_element_type3A_63, %dot_general3A_149 {dimension_numbers = #tpu.dot_dimension_numbers<[1], [0], [0], [1], [0, 0, 1, 1], [], []>, transpose_lhs_hint = false} : vector<512x12xf32>, vector<12x768xf32>, vector<512x768xf32> -> vector<512x768xf32>
    %mul3A_151 = arith.mulf %dot_general3A_150, %concatenate3A_102 : vector<512x768xf32>
    %add3A_152 = arith.addf %get3A_148, %mul3A_151 : vector<512x768xf32>
    %dot_general3A_153 = arith.constant dense<0.000000e+00> : vector<512x768xf32>
    %dot_general3A_154 = tpu.matmul %mul3A_138, %convert_element_type3A_63, %dot_general3A_153 {dimension_numbers = #tpu.dot_dimension_numbers<[1], [0], [0], [1], [0, 0, 1, 1], [], []>, transpose_lhs_hint = false} : vector<512x12xf32>, vector<12x768xf32>, vector<512x768xf32> -> vector<512x768xf32>
    %mul3A_155 = arith.mulf %dot_general3A_154, %concatenate3A_116 : vector<512x768xf32>
    %add3A_156 = arith.addf %add3A_152, %mul3A_155 : vector<512x768xf32>
    %dot_general3A_157 = arith.constant dense<0.000000e+00> : vector<512x768xf32>
    %dot_general3A_158 = tpu.matmul %div3A_145, %convert_element_type3A_63, %dot_general3A_157 {dimension_numbers = #tpu.dot_dimension_numbers<[1], [0], [0], [1], [0, 0, 1, 1], [], []>, transpose_lhs_hint = false} : vector<512x12xf32>, vector<12x768xf32>, vector<512x768xf32> -> vector<512x768xf32>
    %mul3A_159 = arith.mulf %add3A_156, %dot_general3A_158 : vector<512x768xf32>
    %convert_element_type3A_160 = arith.truncf %mul3A_159 : vector<512x768xf32> to vector<512x768xbf16>
    %get3A_161 = arith.constant 0 : index
    %get3A_162 = arith.constant 0 : index
    %get3A_163 = vector.load %arg8[%get3A_161, %get3A_162] : memref<768x768xbf16, #tpu.memory_space<vmem>>, vector<768x768xbf16>
    %dot_general3A_164 = arith.constant dense<0.000000e+00> : vector<512x768xf32>
    %dot_general3A_165 = tpu.matmul %convert_element_type3A_160, %get3A_163, %dot_general3A_164 {dimension_numbers = #tpu.dot_dimension_numbers<[1], [1], [0], [0], [0, 0, 1, 0], [], []>, transpose_lhs_hint = false} : vector<512x768xbf16>, vector<768x768xbf16>, vector<512x768xf32> -> vector<512x768xf32>
    %swap3A = arith.constant 0 : index
    %swap3A_166 = arith.constant 0 : index
    %swap3A_167 = vector.load %arg9[%swap3A, %swap3A_166] : memref<512x768xf32, #tpu.memory_space<vmem>>, vector<512x768xf32>
    tpu.vector_store %arg9[%swap3A, %swap3A_166], %dot_general3A_165 {strides = array<i32>} : memref<512x768xf32, #tpu.memory_space<vmem>>, vector<512x768xf32>,
    %eq3A_168 = arith.constant 0 : i32
    %eq3A_169 = arith.cmpi eq, %arg0, %eq3A_168 : i32
    %convert_element_type3A_170 = arith.extui %eq3A_169 : i1 to i32
    %cond3A = arith.constant 0 : i32
    %cond3A_171 = arith.cmpi ne, %convert_element_type3A_170, %cond3A : i32
    scf.if %cond3A_171 {
      %get3A_177 = arith.constant 0 : index
      %get3A_178 = arith.constant 0 : index
      %get3A_179 = vector.load %arg7[%get3A_177, %get3A_178] : memref<8x768xf32, #tpu.memory_space<vmem>>, vector<1x768xf32>
      %swap3A_180 = arith.constant 0 : index
      %swap3A_181 = arith.constant 0 : index
      %swap3A_182 = vector.load %arg9[%swap3A_180, %swap3A_181] : memref<512x768xf32, #tpu.memory_space<vmem>>, vector<1x768xf32>
      tpu.vector_store %arg9[%swap3A_180, %swap3A_181], %get3A_179 {strides = array<i32>} : memref<512x768xf32, #tpu.memory_space<vmem>>, vector<1x768xf32>,
    } else {
    }
    %eq3A_172 = arith.constant 3 : i32
    %eq3A_173 = arith.cmpi eq, %arg0, %eq3A_172 : i32
    %convert_element_type3A_174 = arith.extui %eq3A_173 : i1 to i32
    %cond3A_175 = arith.constant 0 : i32
    %cond3A_176 = arith.cmpi ne, %convert_element_type3A_174, %cond3A_175 : i32
    scf.if %cond3A_176 {
      %get3A_177 = arith.constant 1 : index
      %get3A_178 = arith.constant 0 : index
      %get3A_179 = vector.load %arg7[%get3A_177, %get3A_178] : memref<8x768xf32, #tpu.memory_space<vmem>>, vector<1x768xf32>
      %swap3A_180 = arith.constant 511 : index
      %swap3A_181 = arith.constant 0 : index
      %swap3A_182 = vector.load %arg9[%swap3A_180, %swap3A_181] : memref<512x768xf32, #tpu.memory_space<vmem>>, vector<1x768xf32>
      tpu.vector_store %arg9[%swap3A_180, %swap3A_181], %get3A_179 {strides = array<i32>} : memref<512x768xf32, #tpu.memory_space<vmem>>, vector<1x768xf32>,
    } else {
    }
    return
  }
  func.func @transform_0(%arg0: i32) -> (i32, i32) {
    %c0_i32 = arith.constant 0 : i32
    %c0_i32_0 = arith.constant 0 : i32
    return %arg0, %c0_i32 : i32, i32
  }
  func.func @transform_1(%arg0: i32) -> (i32, i32, i32) {
    %c0_i32 = arith.constant 0 : i32
    %c0_i32_0 = arith.constant 0 : i32
    %c0_i32_1 = arith.constant 0 : i32
    return %c0_i32, %arg0, %c0_i32_0 : i32, i32, i32
  }
  func.func @transform_2(%arg0: i32) -> (i32, i32, i32) {
    %c0_i32 = arith.constant 0 : i32
    %c0_i32_0 = arith.constant 0 : i32
    %c0_i32_1 = arith.constant 0 : i32
    return %c0_i32, %arg0, %c0_i32_0 : i32, i32, i32
  }
  func.func @transform_3(%arg0: i32) -> (i32, i32) {
    %c0_i32 = arith.constant 0 : i32
    %c0_i32_0 = arith.constant 0 : i32
    return %arg0, %c0_i32 : i32, i32
  }
  func.func @transform_4(%arg0: i32) -> (i32, i32) {
    %c0_i32 = arith.constant 0 : i32
    %c0_i32_0 = arith.constant 0 : i32
    return %arg0, %c0_i32 : i32, i32
  }
  func.func @transform_5(%arg0: i32) -> (i32, i32) {
    %c0_i32 = arith.constant 0 : i32
    %c0_i32_0 = arith.constant 0 : i32
    return %arg0, %c0_i32 : i32, i32
  }
  func.func @transform_6(%arg0: i32) -> (i32, i32) {
    %c0_i32 = arith.constant 0 : i32
    %c0_i32_0 = arith.constant 0 : i32
    %c0_i32_1 = arith.constant 0 : i32
    return %c0_i32, %c0_i32_0 : i32, i32
  }
  func.func @transform_7(%arg0: i32) -> (i32, i32) {
    %c0_i32 = arith.constant 0 : i32
    %c0_i32_0 = arith.constant 0 : i32
    %c0_i32_1 = arith.constant 0 : i32
    return %c0_i32, %c0_i32_0 : i32, i32
  }
  func.func @transform_8(%arg0: i32) -> (i32, i32) {
    %c0_i32 = arith.constant 0 : i32
    %c0_i32_0 = arith.constant 0 : i32
    return %arg0, %c0_i32 : i32, i32
  }
}

</mosaic_0001>

<sc_bundles>
// kernel: kernel.6.cloned.1.call-start
scs
__scs_entry_jumppad:
0x0: {  	(pc) =	sbr.rel $0x88, $3  }
0x1: {  	(tag) =	ssettag $0x0;
	lr =	simm.s32 $0x1  }
0x2: {  	[smem:$0x3F99] =	sst lr;
	_ =	strace $0xD0000000  }
0x3: {  	_ = 	snop  }
0x4: {  	_ = 	snop  }
0x5: {  	_ = 	snop  }
0x6: {  	_ = 	snop  }
0x7: {  	_ = 	snop  }
__scs_overlays_trampoline_lowered:
0x8: {  	[smem:$0x3FA8] =	sst s0  }
0x9: {  	[smem:$0x3FA9] =	sst s1  }
0xa: {  	[smem:$0x3FAA] =	sst s2  }
0xb: {  	[smem:$0x3FAB] =	sst s3  }
0xc: {  	[smem:$0x3FAC] =	sst s4  }
0xd: {  	[smem:$0x3FAD] =	sst s5  }
0xe: {  	[smem:$0x3FAE] =	sst s6  }
0xf: {  	[smem:$0x3FAF] =	sst s7  }
0x10: {  	[smem:$0x3FB0] =	sst s8  }
0x11: {  	[smem:$0x3FB1] =	sst s9;
	s0 =	simm.s32 @!p0 $0x0  }
0x12: {  	s1 =	sld [smem:$0x3F97];
	s0 =	simm.s32 @p0 $0x1  }
0x13: {  	[smem:$0x3FB2] =	sst s0;
	s0 =	simm.s32 @!p1 $0x0  }
0x14: {  	s2 =	sld [smem:$0x3F96];
	s0 =	simm.s32 @p1 $0x1  }
0x15: {  	[smem:$0x3FB3] =	sst s0;
	s0 =	simm.s32 @!p2 $0x0  }
0x16: {  	s3 =	sld [smem:$0x3FDB];
	s0 =	simm.s32 @p2 $0x1  }
0x17: {  	s4 =	simm.s32 $0x1BF5;
	[smem:$0x3FB5] =	sst s0  }
0x18: {  	s0 =	sld [smem:$0x3F98];
	_ =	swait.ge [sflag:s4], $0x0  }
0x19: {  	s7 =	sld [smem:$0x3F99]  }
0x1a: {  	s8 =	sadd.s32 $0xFFFFE003, lr  }
0x1b: {  	s9 =	sadd.s32 $0xFFFFFEF7, lr;
	s5 =	simm.s32 $0xFFFFFFFF;
	p2 =	slt.u32 s8, $0xFFFFF086  }
0x1c: {  	p1 =	slt.u32 s9, $0xF7A;
	s5 =	simm.s32 @!p2 $0x0  }
0x1d: {  	s5 =	simm.s32 @p1 $0x1;
	p0 =	seq.s32 s7, s2  }
0x1e: {  	s7 =	smul.u32 @!p0 $0xF7A, s2;
	p2 =	seq.s32 @!p0 s5, $0x0  }
0x1f: {  	s9 =	smul.u32 $0xF7A, s1;
	s8 =	simm.s32 @!p0 $0x1BF5;
	p2 =	por !p2, p0  }
0x20: {  	[sflag:s8] =	ssyncset.s32 @!p0 $0xFFFFF086;
	s6 =	sadd.s32 @!p0 s3, s7;
	s7 =	simm.s32 @!p0 $0x108  }
0x21: {  	s3 =	sadd.s32 s3, s9;
	s6 =	sadd.s32 @!p0 $0x88, s6;
	s7 =	simm.s32 @p2 $0x1082  }
0x22: {  	[simem:s7], [sflag:s8] =	dma.local @!p0 [hbm:s6], $0xF7A  }
0x23: {  	s9 =	sor.u32 $0xD0000000, s2;
	s6 =	simm.s32 $0x108;
	_ =	swait.ge @!p0 [sflag:s8], $0x0  }
0x24: {  	s3 =	sadd.s32 $0x88, s3;
	s6 =	simm.s32 @!p1 $0x1082;
	[sflag:s4] =	ssyncset.s32 $0xFFFFF086  }
0x25: {  	[simem:s6], [sflag:s4] =	dma.local [hbm:s3], $0xF7A  }
0x26: {  	[smem:$0x3F99] =	sst s1;
	(tag) =	ssettag s2;
	_ =	strace s9  }
0x27: {  	s1 =	sld [smem:$0x3FA9]  }
0x28: {  	s2 =	sld [smem:$0x3FAA]  }
0x29: {  	s4 =	sld [smem:$0x3FAC]  }
0x2a: {  	p0 =	seq.s32 s5, $0x0;
	s5 =	sld [smem:$0x3FAD]  }
0x2b: {  	s6 =	sld [smem:$0x3FAE]  }
0x2c: {  	s7 =	sld [smem:$0x3FAF]  }
0x2d: {  	s3 =	simm.s32 $0x108;
	s8 =	sld [smem:$0x3FB0]  }
0x2e: {  	s3 =	simm.s32 @!p0 $0x1082;
	s9 =	sld [smem:$0x3FB1]  }
0x2f: {  	lr =	sadd.s32 s0, s3;
	s0 =	sld [smem:$0x3FA8]  }
0x30: {  	s3 =	sld [smem:$0x3FAB]  }
0x31: {  	[smem:$0x3FB4] =	sst s10  }
0x32: {  	s10 =	sld [smem:$0x3FB2];
	_ =	sdelay $0x3  }
0x33: {  	p0 =	seq.s32 s10, $0x1;
	s10 =	sld [smem:$0x3FB4];
	_ =	sdelay $0x3  }
0x34: {  	[smem:$0x3FB4] =	sst s10  }
0x35: {  	s10 =	sld [smem:$0x3FB3];
	_ =	sdelay $0x3  }
0x36: {  	p1 =	seq.s32 s10, $0x1;
	s10 =	sld [smem:$0x3FB4];
	_ =	sdelay $0x3  }
0x37: {  	[smem:$0x3FB4] =	sst s10  }
0x38: {  	s10 =	sld [smem:$0x3FB5]  }
0x39: {  	_ = 	snop;
	(pc) =	sbr.ind lr, $3  }
0x3a: {  	_ = 	snop  }
0x3b: {  	_ = 	snop  }
0x3c: {  	p2 =	seq.s32 s10, $0x1;
	s10 =	sld [smem:$0x3FB4]  }
0x3d: {  	_ =	shalt  }
0x3e: {  	_ =	shalt  }
0x3f: {  	_ =	shalt  }
0x40: {  	_ =	shalt  }
0x41: {  	_ =	shalt  }
0x42: {  	_ =	shalt  }
0x43: {  	_ =	shalt  }
0x44: {  	_ =	shalt  }
0x45: {  	_ =	shalt  }
0x46: {  	_ =	shalt  }
0x47: {  	_ =	shalt  }
0x48: {  	_ =	shalt  }
0x49: {  	_ =	shalt  }
0x4a: {  	_ =	shalt  }
0x4b: {  	_ =	shalt  }
0x4c: {  	_ =	shalt  }
0x4d: {  	_ =	shalt  }
0x4e: {  	_ =	shalt  }
0x4f: {  	_ =	shalt  }
0x50: {  	_ =	shalt  }
0x51: {  	_ =	shalt  }
0x52: {  	_ =	shalt  }
0x53: {  	_ =	shalt  }
0x54: {  	_ =	shalt  }
0x55: {  	_ =	shalt  }
0x56: {  	_ =	shalt  }
0x57: {  	_ =	shalt  }
0x58: {  	_ =	shalt  }
0x59: {  	_ =	shalt  }
0x5a: {  	_ =	shalt  }
0x5b: {  	_ =	shalt  }
0x5c: {  	_ =	shalt  }
0x5d: {  	_ =	shalt  }
0x5e: {  	_ =	shalt  }
0x5f: {  	_ =	shalt  }
0x60: {  	_ =	shalt  }
0x61: {  	_ =	shalt  }
0x62: {  	_ =	shalt  }
0x63: {  	_ =	shalt  }
0x64: {  	_ =	shalt  }
0x65: {  	_ =	shalt  }
0x66: {  	_ =	shalt  }
0x67: {  	_ =	shalt  }
0x68: {  	_ =	shalt  }
0x69: {  	_ =	shalt  }
0x6a: {  	_ =	shalt  }
0x6b: {  	_ =	shalt  }
0x6c: {  	_ =	shalt  }
0x6d: {  	_ =	shalt  }
0x6e: {  	_ =	shalt  }
0x6f: {  	_ =	shalt  }
0x70: {  	_ =	shalt  }
0x71: {  	_ =	shalt  }
0x72: {  	_ =	shalt  }
0x73: {  	_ =	shalt  }
0x74: {  	_ =	shalt  }
0x75: {  	_ =	shalt  }
0x76: {  	_ =	shalt  }
0x77: {  	_ =	shalt  }
0x78: {  	_ =	shalt  }
0x79: {  	_ =	shalt  }
0x7a: {  	_ =	shalt  }
0x7b: {  	_ =	shalt  }
0x7c: {  	_ =	shalt  }
0x7d: {  	_ =	shalt  }
0x7e: {  	_ =	shalt  }
0x7f: {  	_ =	shalt  }
0x80: {  	_ =	shalt  }
0x81: {  	_ =	shalt  }
0x82: {  	_ =	shalt  }
0x83: {  	_ =	shalt  }
0x84: {  	_ =	shalt  }
0x85: {  	_ =	shalt  }
0x86: {  	_ =	shalt  }
0x87: {  	_ =	shalt  }
.Lfunc_end0:
.L_simem_size_0:
called_computation_lowered:
.L_overlay_start_0:
0x88: {  	s2 =	sld [smem:$0x3FD9]  }
0x89: {  	s3 =	sld [smem:$0x3FFE];
	_ =	sdelay $0x1  }
0x8a: {  	s1 =	srdreg.scid  }
0x8b: {  	s0 =	sand.u32 $0x1, s1  }
0x8c: {  	s16 =	sshll.u32 s0, $0xA;
	s2 =	sadd.s32 s3, s2  }
0x8d: {  	s2 =	sadd.s32 s2, s16  }
0x8e: {  	[smem:$0x3FC0] =	sst s2  }
0x8f: {  	_ = 	snop  }
0x90: {  	(tm) =	ssettm $0x1  }
0x91: {  	s17 =	sld [smem:$0x3FFB];
	_ =	sdelay $0x3  }
0x92: {  	_ =	strace s17  }
0x93: {  	s2 =	sld [smem:$0x3FFC];
	_ =	sdelay $0x3  }
0x94: {  	_ =	strace s2  }
0x95: {  	s2 =	sld [smem:$0x3FFD];
	_ =	sdelay $0x3  }
0x96: {  	_ =	strace s2  }
0x97: {  	_ =	strace $0x8FFFFFFF  }
0x98: {  	s18 =	sld [smem:$0x3FDB];
	_ =	sdelay $0x1  }
0x99: {  	s19 =	simm.s32 $_scs_section_size  }
0x9a: {  	s4 =	simm.s32 $_size__tile_overlayer_lowered;
	s5 =	simm.s32 $_tile_overlayer_lowered  }
0x9b: {  	s22 =	simm.s32 $0x1BFF;
	s21 =	sshll.u32 s5, $0x1;
	s2 =	sadd.s32 s19, s18  }
0x9c: {  	s6 =	simm.s32 $0x0;
	s20 =	sshll.u32 s4, $0x1;
	s4 =	sadd.s32 s21, s2  }
0x9d: {  	[timem:s6], [sflag:s22] =	dma.local [hbm:s4], s20  }
0x9e: {  	_ =	swait.ge [sflag:s22], s20  }
0x9f: {  	s3 =	ssub.s32 $0x0, s20;
	[sflag:s22] =	ssyncset.done $0x0  }
0xa0: {  	[sflag:s22] =	ssyncadd.s32 s3;
	_ =	sdelay $0x1  }
0xa1: {  	s23 =	simm.s32 $0x1B8B  }
0xa2: {  	_ =	swait.ge [sflag:s23], $0x1  }
0xa3: {  	[sflag:s23] =	ssyncset.done $0x0  }
0xa4: {  	s25 =	simm.s32 $0x1B8E;
	s24 =	sld [smem:$0x3FFE];
	[sflag:s23] =	ssyncadd.s32 $0xFFFFFFFF  }
0xa5: {  	s26 =	simm.s32 $execute0_lowered;
	[smem:$0x3FD2] =	sst s25  }
0xa6: {  	s4 =	sshll.u32 s26, $0x1;
	_ =	strace $0x80000046;
	[dreg:$0x1] =	wrdreg $0xFFFFFFFF  }
0xa7: {  	s28 =	simm.s32 $_size_execute0_lowered;
	s2 =	sadd.s32 s2, s4;
	[dreg:$0x0] =	wrdreg $0x0  }
0xa8: {  	s4 =	sshll.u32 s28, $0x1;
	[dreg:$0x2] =	wrdreg s2  }
0xa9: {  	[dreg:$0x3] =	wrdreg s4  }
0xaa: {  	[dreg:$0x4] =	wrdreg $0xC0  }
0xab: {  	_ =	task [dreg:s6], $0x5FFFF  }
0xac: {  	[dreg:$0x1] =	wrdreg $0xFFFFFFFF  }
0xad: {  	[dreg:$0x0] =	wrdreg $0x60  }
0xae: {  	[dreg:$0x2] =	wrdreg s24  }
0xaf: {  	[dreg:$0x3] =	wrdreg $0x9  }
0xb0: {  	_ =	task.clear_ibuf [dreg:s6], $0x4FFFF;
	_ =	strace $0x90000046  }
0xb1: {  	s29 =	simm.s32 $0x9;
	_ =	strace $0x80000048  }
0xb2: {  	_ =	swait.ge [sflag:s29], $0x1  }
0xb3: {  	[sflag:s29] =	ssyncadd.s32 $0xFFFFFFFF  }
0xb4: {  	_ =	strace $0x90000048  }
0xb5: {  	_ =	sfence  }
0xb6: {  	s30 =	sld [smem:$0x0];
	_ =	sdelay $0x2  }
0xb7: {  	s31 =	sshll.u32 s1, $0xD;
	s1 =	sshrl.u32 s1, $0x2  }
0xb8: {  	s3 =	sand.u32 $0x4000, s31;
	s1 =	sadd.s32 s1, s30  }
0xb9: {  	s0 =	sor.u32 s3, s0;
	s1 =	sshll.u32 s1, $0x11  }
0xba: {  	s0 =	sor.u32 s1, s0  }
0xbb: {  	s0 =	sadd.s32 $0x8F2B, s0  }
0xbc: {  	[sflag:s0] =	ssyncadd.remote.s32 $0x1  }
0xbd: {  	_ =	sfence.sel $0xFFFF  }
0xbe: {  	[dreg:$0x0] =	wrdreg $0xFFFFFFFF;
	(pc) =	sbr.abs _section_cstart, $3  }
0xbf: {  	[dreg:$0x1] =	wrdreg $0xFFFFFFFF  }
0xc0: {  	_ =	task.clear_ibuf [dreg:s6], $0x2FFFF;
	_ =	strace $0x9FFFFFFF  }
0xc1: {  	(tm) =	ssettm $0x7FFFFFFF  }
tec
execute0_lowered:
.L_overlay_start_1:
0x0: {  	(tag) =	ssettag $0x1  }
0x1: {  	s1 =	srdreg.scid  }
0x2: {  	s0 =	stileid.u32;
	s5 =	sand.u32 $0x1, s1  }
0x3: {  	s2 =	sshll.u32 s0, $0x5;
	s3 =	sshll.u32 s5, $0x4  }
0x4: {  	s1 =	rddreg [dreg:$0x0];
	s3 =	sor.u32 s3, s2;
	s2 =	simm.s32 $0x0  }
0x5: {  	s9 =	simm.s32 $0x880;
	[smem:$0x7FF] =	sst s2  }
0x6: {  	s10 =	simm.s32 $0xC80;
	_ =	strace $0x80000047;
	[dreg:$0x5] =	wrdreg s9  }
0x7: {  	s11 =	simm.s32 $0x1480;
	[dreg:$0x6] =	wrdreg s10  }
0x8: {  	s12 =	simm.s32 $0x1880;
	[dreg:$0x7] =	wrdreg s11  }
0x9: {  	s13 =	simm.s32 $0x2080;
	[dreg:$0x8] =	wrdreg s12  }
0xa: {  	s14 =	simm.s32 $0x2480;
	[dreg:$0x9] =	wrdreg s13  }
0xb: {  	s15 =	simm.s32 $0x2C80;
	[dreg:$0xa] =	wrdreg s14  }
0xc: {  	s16 =	simm.s32 $0x3080;
	[dreg:$0xb] =	wrdreg s15  }
0xd: {  	s17 =	simm.s32 $0x3880;
	[dreg:$0xc] =	wrdreg s16  }
0xe: {  	s18 =	simm.s32 $0x3C80;
	[dreg:$0xd] =	wrdreg s17  }
0xf: {  	s19 =	simm.s32 $0x4480;
	[dreg:$0xe] =	wrdreg s18  }
0x10: {  	s20 =	simm.s32 $0x4880;
	[dreg:$0xf] =	wrdreg s19  }
0x11: {  	s21 =	simm.s32 $0x5080;
	[dreg:$0x10] =	wrdreg s20  }
0x12: {  	s22 =	simm.s32 $0x5480;
	[dreg:$0x11] =	wrdreg s21  }
0x13: {  	s23 =	simm.s32 $0x5C80;
	[dreg:$0x12] =	wrdreg s22  }
0x14: {  	s24 =	simm.s32 $0x6080;
	[dreg:$0x13] =	wrdreg s23  }
0x15: {  	s25 =	simm.s32 $0x6880;
	[dreg:$0x14] =	wrdreg s24  }
0x16: {  	s26 =	simm.s32 $0x6C80;
	[dreg:$0x15] =	wrdreg s25  }
0x17: {  	s6 =	simm.s32 $0x8080;
	s0 =	simm.s32 $0x7480;
	[dreg:$0x16] =	wrdreg s26  }
0x18: {  	s4 =	smul.u32 $0x180, s3;
	s3 =	sadd.s32 s3, s1;
	[dreg:$0x17] =	wrdreg s0  }
0x19: {  	s3 =	sadd.s32 $0x2000, s3;
	[dreg:$0x19] =	wrdreg s6  }
0x1a: {  	s9 =	simm.s32 $0x9080;
	[dreg:$0x2] =	wrdreg s3  }
0x1b: {  	s10 =	simm.s32 $0x9880;
	[dreg:$0x1c] =	wrdreg s9  }
0x1c: {  	s11 =	simm.s32 $0x9C80;
	[dreg:$0x1d] =	wrdreg s10  }
0x1d: {  	s12 =	simm.s32 $0xA480;
	[dreg:$0x1e] =	wrdreg s11  }
0x1e: {  	s13 =	simm.s32 $0xA880;
	[dreg:$0x1f] =	wrdreg s12  }
0x1f: {  	s14 =	simm.s32 $0xB080;
	[smem:$0x7EE] =	sst s13  }
0x20: {  	s15 =	simm.s32 $0xB480;
	[smem:$0x7EF] =	sst s14  }
0x21: {  	s16 =	simm.s32 $0xBC80;
	[smem:$0x7F0] =	sst s15  }
0x22: {  	s17 =	simm.s32 $0xC880;
	[smem:$0x7F1] =	sst s16  }
0x23: {  	s18 =	simm.s32 $0xCC80;
	[smem:$0x7F2] =	sst s17  }
0x24: {  	s28 =	simm.s32 $0x17080;
	s19 =	simm.s32 $0xD480;
	[smem:$0x7F3] =	sst s18  }
0x25: {  	s29 =	simm.s32 $0x17480;
	s6 =	simm.s32 $0xD880;
	[smem:$0x7F4] =	sst s19  }
0x26: {  	s30 =	simm.s32 $0x17C80;
	s20 =	simm.s32 $0xE080;
	[smem:$0x7F5] =	sst s6  }
0x27: {  	s31 =	simm.s32 $0x1;
	s21 =	simm.s32 $0xE480;
	[smem:$0x7F6] =	sst s20  }
0x28: {  	s5 =	ssub.s32 $0x2, s5;
	s22 =	simm.s32 $0xEC80;
	[smem:$0x7F7] =	sst s21  }
0x29: {  	s23 =	simm.s32 $0xF080;
	s24 =	simm.s32 $0xFC80;
	[smem:$0x7F8] =	sst s22  }
0x2a: {  	s25 =	simm.s32 $0x10480;
	s26 =	simm.s32 $0x10880;
	[smem:$0x7F9] =	sst s23  }
0x2b: {  	s4 =	sadd.s32 s4, s1;
	s3 =	sadd.s32 $0x2200, s1;
	[smem:$0x7FB] =	sst s24  }
0x2c: {  	s6 =	sadd.s32 $0x1A300, s1;
	[smem:$0x7FC] =	sst s25;
	s9 =	simm.s32 $0x80  }
0x2d: {  	s10 =	simm.s32 $0xC080;
	[smem:$0x7FD] =	sst s26;
	s12 =	simm.s32 $0x11480  }
0x2e: {  	s13 =	simm.s32 $0x11C80;
	s14 =	simm.s32 $0x12080;
	s15 =	simm.s32 $0x12880  }
0x2f: {  	s16 =	simm.s32 $0x12C80;
	s17 =	simm.s32 $0x13480;
	s18 =	simm.s32 $0x13880  }
0x30: {  	s19 =	simm.s32 $0x14080;
	s20 =	simm.s32 $0x14480;
	s21 =	simm.s32 $0x14C80  }
0x31: {  	s22 =	simm.s32 $0x15080;
	s23 =	simm.s32 $0x15880;
	s7 =	sadd.s32 $0x32200, s4  }
0x32: {  	s24 =	simm.s32 $0x15C80;
	s8 =	sadd.s32 $0x62200, s4;
	[dreg:$0x3] =	wrdreg s7  }
0x33: {  	s25 =	simm.s32 $0x16480;
	s4 =	simm.s32 $0x7880;
	[dreg:$0x4] =	wrdreg s8  }
0x34: {  	s26 =	simm.s32 $0x16880;
	[dreg:$0x18] =	wrdreg s4;
	s7 =	simm.s32 $0x8480  }
0x35: {  	s8 =	simm.s32 $0x8C80;
	s4 =	sadd.s32 $0x1A200, s1;
	[dreg:$0x1a] =	wrdreg s7  }
0x36: {  	v2 =	vlaneseq.u32;
	[dreg:$0x1b] =	wrdreg s8;
	s7 =	sshrl.u32 s5, $0x1;
	s8 =	simm.s32 $0xF880  }
0x37: {  	vm0 =	vmmov $0xffff;
	vm1 =	vmmov $0xff;
	v1 =	vshrl.u32 v2, $0x3;
	s7 =	ssub.s32 s5, s7;
	s5 =	sadd.s32 $0x2300, s1;
	[smem:$0x7FA] =	sst s8  }
0x38: {  	v0 =	vand.u32 $0x7, v2;
	v2 =	vor.u32 $0x8, v2;
	v1 =	vmul.u32 $0x8, v1;
	s8 =	simm.s32 $0x3;
	s1 =	simm.s32 $0x2;
	s7 =	smax.u32 s7, $0x1  }
.LBB2_1:
0x39: {  	s0 =	rddreg [dreg:$0x2]  }
0x3a: {  	[tilespmem:s2], [sflag:$0x3] =	stream.linear.gather [hbm4b:s0+s2], $0x80, $0x38;
	[tilespmem:$0x18080] =	vst v63  }
0x3b: {  	_ =	swait.ge [sflag:s8], $0x80  }
0x3c: {  	[sflag:s8] =	ssyncset.done $0x0  }
0x3d: {  	[sflag:s8] =	ssyncadd.s32 $0xFFFFFF80  }
0x3e: {  	v3 =	vld [tilespmem:$0x0];
	_ =	sdelay $0x4  }
0x3f: {  	v4 =	vshrl.u32 v3, $0x3  }
0x40: {  	v4 =	vmul.u32 $0x18, v4  }
0x41: {  	v3 =	vand.u32 $0x7, v3  }
0x42: {  	v3 =	vor.u32 v3, v4  }
0x43: {  	v4 =	vperm.xlane v3, v0;
	_ =	sdelay $0x1  }
0x44: {  	v4 =	vadd.s32 v1, v4;
	_ =	sdelay $0x1  }
0x45: {  	v3 =	vperm.xlane v3, v2;
	_ =	sdelay $0x1  }
0x46: {  	v3 =	vadd.s32 v1, v3  }
0x47: {  	[tilespmem:s9], [sflag:$0x1] =	stream.indirect_vreg.gather [hbm4b:s3+s2], $0x80, v4, vm0, $0xb8;
	[tilespmem:$0x18080] =	vst v63  }
0x48: {  	s0 =	rddreg [dreg:$0x5]  }
0x49: {  	[tilespmem:s0], [sflag:$0x1] =	stream.indirect_vreg.gather [hbm4b:s5+s2], $0x80, v4, vm1, $0xb8;
	[tilespmem:$0x18080] =	vst v63  }
0x4a: {  	s11 =	rddreg [dreg:$0x6]  }
0x4b: {  	[tilespmem:s11], [sflag:$0x1] =	stream.indirect_vreg.gather [hbm4b:s3+s2], $0x80, v3, vm0, $0xb8;
	[tilespmem:$0x18080] =	vst v63  }
0x4c: {  	s0 =	rddreg [dreg:$0x7]  }
0x4d: {  	[tilespmem:s0], [sflag:$0x1] =	stream.indirect_vreg.gather [hbm4b:s5+s2], $0x80, v3, vm1, $0xb8;
	[tilespmem:$0x18080] =	vst v63  }
0x4e: {  	v3 =	vld [tilespmem:$0x10];
	_ =	sdelay $0x4  }
0x4f: {  	v49 =	vshrl.u32 v3, $0x3  }
0x50: {  	v4 =	vmul.u32 $0x18, v49  }
0x51: {  	v3 =	vand.u32 $0x7, v3  }
0x52: {  	v3 =	vor.u32 v3, v4  }
0x53: {  	v4 =	vperm.xlane v3, v0;
	_ =	sdelay $0x1  }
0x54: {  	v4 =	vadd.s32 v1, v4;
	_ =	sdelay $0x1  }
0x55: {  	v3 =	vperm.xlane v3, v2;
	_ =	sdelay $0x1  }
0x56: {  	s0 =	rddreg [dreg:$0x8];
	v3 =	vadd.s32 v1, v3  }
0x57: {  	[tilespmem:s0], [sflag:$0x1] =	stream.indirect_vreg.gather [hbm4b:s3+s2], $0x80, v4, vm0, $0xb8;
	[tilespmem:$0x18080] =	vst v63  }
0x58: {  	s11 =	rddreg [dreg:$0x9]  }
0x59: {  	[tilespmem:s11], [sflag:$0x1] =	stream.indirect_vreg.gather [hbm4b:s5+s2], $0x80, v4, vm1, $0xb8;
	[tilespmem:$0x18080] =	vst v63  }
0x5a: {  	s0 =	rddreg [dreg:$0xa]  }
0x5b: {  	[tilespmem:s0], [sflag:$0x1] =	stream.indirect_vreg.gather [hbm4b:s3+s2], $0x80, v3, vm0, $0xb8;
	[tilespmem:$0x18080] =	vst v63  }
0x5c: {  	s11 =	rddreg [dreg:$0xb]  }
0x5d: {  	[tilespmem:s11], [sflag:$0x1] =	stream.indirect_vreg.gather [hbm4b:s5+s2], $0x80, v3, vm1, $0xb8;
	[tilespmem:$0x18080] =	vst v63  }
0x5e: {  	v3 =	vld [tilespmem:$0x20];
	_ =	sdelay $0x4  }
0x5f: {  	v50 =	vshrl.u32 v3, $0x3  }
0x60: {  	v4 =	vmul.u32 $0x18, v50  }
0x61: {  	v3 =	vand.u32 $0x7, v3  }
0x62: {  	v3 =	vor.u32 v3, v4  }
0x63: {  	v4 =	vperm.xlane v3, v0;
	_ =	sdelay $0x1  }
0x64: {  	v4 =	vadd.s32 v1, v4;
	_ =	sdelay $0x1  }
0x65: {  	v3 =	vperm.xlane v3, v2;
	_ =	sdelay $0x1  }
0x66: {  	s0 =	rddreg [dreg:$0xc];
	v3 =	vadd.s32 v1, v3  }
0x67: {  	[tilespmem:s0], [sflag:$0x1] =	stream.indirect_vreg.gather [hbm4b:s3+s2], $0x80, v4, vm0, $0xb8;
	[tilespmem:$0x18080] =	vst v63  }
0x68: {  	s11 =	rddreg [dreg:$0xd]  }
0x69: {  	[tilespmem:s11], [sflag:$0x1] =	stream.indirect_vreg.gather [hbm4b:s5+s2], $0x80, v4, vm1, $0xb8;
	[tilespmem:$0x18080] =	vst v63  }
0x6a: {  	s0 =	rddreg [dreg:$0xe]  }
0x6b: {  	[tilespmem:s0], [sflag:$0x1] =	stream.indirect_vreg.gather [hbm4b:s3+s2], $0x80, v3, vm0, $0xb8;
	[tilespmem:$0x18080] =	vst v63  }
0x6c: {  	s11 =	rddreg [dreg:$0xf]  }
0x6d: {  	[tilespmem:s11], [sflag:$0x1] =	stream.indirect_vreg.gather [hbm4b:s5+s2], $0x80, v3, vm1, $0xb8;
	[tilespmem:$0x18080] =	vst v63  }
0x6e: {  	v3 =	vld [tilespmem:$0x30];
	_ =	sdelay $0x4  }
0x6f: {  	v51 =	vshrl.u32 v3, $0x3  }
0x70: {  	v4 =	vmul.u32 $0x18, v51  }
0x71: {  	v3 =	vand.u32 $0x7, v3  }
0x72: {  	v3 =	vor.u32 v3, v4  }
0x73: {  	v4 =	vperm.xlane v3, v0;
	_ =	sdelay $0x1  }
0x74: {  	v4 =	vadd.s32 v1, v4;
	_ =	sdelay $0x1  }
0x75: {  	v3 =	vperm.xlane v3, v2;
	_ =	sdelay $0x1  }
0x76: {  	s0 =	rddreg [dreg:$0x10];
	v3 =	vadd.s32 v1, v3  }
0x77: {  	[tilespmem:s0], [sflag:$0x1] =	stream.indirect_vreg.gather [hbm4b:s3+s2], $0x80, v4, vm0, $0xb8;
	[tilespmem:$0x18080] =	vst v63  }
0x78: {  	s11 =	rddreg [dreg:$0x11]  }
0x79: {  	[tilespmem:s11], [sflag:$0x1] =	stream.indirect_vreg.gather [hbm4b:s5+s2], $0x80, v4, vm1, $0xb8;
	[tilespmem:$0x18080] =	vst v63  }
0x7a: {  	s0 =	rddreg [dreg:$0x12]  }
0x7b: {  	[tilespmem:s0], [sflag:$0x1] =	stream.indirect_vreg.gather [hbm4b:s3+s2], $0x80, v3, vm0, $0xb8;
	[tilespmem:$0x18080] =	vst v63  }
0x7c: {  	s11 =	rddreg [dreg:$0x13]  }
0x7d: {  	[tilespmem:s11], [sflag:$0x1] =	stream.indirect_vreg.gather [hbm4b:s5+s2], $0x80, v3, vm1, $0xb8;
	[tilespmem:$0x18080] =	vst v63  }
0x7e: {  	v3 =	vld [tilespmem:$0x40];
	_ =	sdelay $0x4  }
0x7f: {  	v52 =	vshrl.u32 v3, $0x3  }
0x80: {  	v4 =	vmul.u32 $0x18, v52  }
0x81: {  	v3 =	vand.u32 $0x7, v3  }
0x82: {  	v3 =	vor.u32 v3, v4  }
0x83: {  	v4 =	vperm.xlane v3, v0;
	_ =	sdelay $0x1  }
0x84: {  	v4 =	vadd.s32 v1, v4;
	_ =	sdelay $0x1  }
0x85: {  	v3 =	vperm.xlane v3, v2;
	_ =	sdelay $0x1  }
0x86: {  	s0 =	rddreg [dreg:$0x14];
	v3 =	vadd.s32 v1, v3  }
0x87: {  	[tilespmem:s0], [sflag:$0x1] =	stream.indirect_vreg.gather [hbm4b:s3+s2], $0x80, v4, vm0, $0xb8;
	[tilespmem:$0x18080] =	vst v63  }
0x88: {  	s11 =	rddreg [dreg:$0x15]  }
0x89: {  	[tilespmem:s11], [sflag:$0x1] =	stream.indirect_vreg.gather [hbm4b:s5+s2], $0x80, v4, vm1, $0xb8;
	[tilespmem:$0x18080] =	vst v63  }
0x8a: {  	s0 =	rddreg [dreg:$0x16]  }
0x8b: {  	[tilespmem:s0], [sflag:$0x1] =	stream.indirect_vreg.gather [hbm4b:s3+s2], $0x80, v3, vm0, $0xb8;
	[tilespmem:$0x18080] =	vst v63  }
0x8c: {  	s11 =	rddreg [dreg:$0x17]  }
0x8d: {  	[tilespmem:s11], [sflag:$0x1] =	stream.indirect_vreg.gather [hbm4b:s5+s2], $0x80, v3, vm1, $0xb8;
	[tilespmem:$0x18080] =	vst v63  }
0x8e: {  	v3 =	vld [tilespmem:$0x50];
	_ =	sdelay $0x4  }
0x8f: {  	v53 =	vshrl.u32 v3, $0x3  }
0x90: {  	v4 =	vmul.u32 $0x18, v53  }
0x91: {  	v3 =	vand.u32 $0x7, v3  }
0x92: {  	v3 =	vor.u32 v3, v4  }
0x93: {  	v4 =	vperm.xlane v3, v0;
	_ =	sdelay $0x1  }
0x94: {  	v4 =	vadd.s32 v1, v4;
	_ =	sdelay $0x1  }
0x95: {  	v3 =	vperm.xlane v3, v2;
	_ =	sdelay $0x1  }
0x96: {  	s0 =	rddreg [dreg:$0x18];
	v3 =	vadd.s32 v1, v3  }
0x97: {  	[tilespmem:s0], [sflag:$0x1] =	stream.indirect_vreg.gather [hbm4b:s3+s2], $0x80, v4, vm0, $0xb8;
	[tilespmem:$0x18080] =	vst v63  }
0x98: {  	s11 =	rddreg [dreg:$0x19]  }
0x99: {  	[tilespmem:s11], [sflag:$0x1] =	stream.indirect_vreg.gather [hbm4b:s5+s2], $0x80, v4, vm1, $0xb8;
	[tilespmem:$0x18080] =	vst v63  }
0x9a: {  	s0 =	rddreg [dreg:$0x1a]  }
0x9b: {  	[tilespmem:s0], [sflag:$0x1] =	stream.indirect_vreg.gather [hbm4b:s3+s2], $0x80, v3, vm0, $0xb8;
	[tilespmem:$0x18080] =	vst v63  }
0x9c: {  	s11 =	rddreg [dreg:$0x1b]  }
0x9d: {  	[tilespmem:s11], [sflag:$0x1] =	stream.indirect_vreg.gather [hbm4b:s5+s2], $0x80, v3, vm1, $0xb8;
	[tilespmem:$0x18080] =	vst v63  }
0x9e: {  	v3 =	vld [tilespmem:$0x60];
	_ =	sdelay $0x4  }
0x9f: {  	v54 =	vshrl.u32 v3, $0x3  }
0xa0: {  	v4 =	vmul.u32 $0x18, v54  }
0xa1: {  	v3 =	vand.u32 $0x7, v3  }
0xa2: {  	v3 =	vor.u32 v3, v4  }
0xa3: {  	v4 =	vperm.xlane v3, v0;
	_ =	sdelay $0x1  }
0xa4: {  	v4 =	vadd.s32 v1, v4;
	_ =	sdelay $0x1  }
0xa5: {  	v3 =	vperm.xlane v3, v2;
	_ =	sdelay $0x1  }
0xa6: {  	s0 =	rddreg [dreg:$0x1c];
	v3 =	vadd.s32 v1, v3  }
0xa7: {  	[tilespmem:s0], [sflag:$0x1] =	stream.indirect_vreg.gather [hbm4b:s3+s2], $0x80, v4, vm0, $0xb8;
	[tilespmem:$0x18080] =	vst v63  }
0xa8: {  	s11 =	rddreg [dreg:$0x1d]  }
0xa9: {  	[tilespmem:s11], [sflag:$0x1] =	stream.indirect_vreg.gather [hbm4b:s5+s2], $0x80, v4, vm1, $0xb8;
	[tilespmem:$0x18080] =	vst v63  }
0xaa: {  	s0 =	rddreg [dreg:$0x1e]  }
0xab: {  	[tilespmem:s0], [sflag:$0x1] =	stream.indirect_vreg.gather [hbm4b:s3+s2], $0x80, v3, vm0, $0xb8;
	[tilespmem:$0x18080] =	vst v63  }
0xac: {  	s11 =	rddreg [dreg:$0x1f]  }
0xad: {  	[tilespmem:s11], [sflag:$0x1] =	stream.indirect_vreg.gather [hbm4b:s5+s2], $0x80, v3, vm1, $0xb8;
	[tilespmem:$0x18080] =	vst v63  }
0xae: {  	v3 =	vld [tilespmem:$0x70];
	_ =	sdelay $0x4  }
0xaf: {  	v55 =	vshrl.u32 v3, $0x3  }
0xb0: {  	v4 =	vmul.u32 $0x18, v55  }
0xb1: {  	v3 =	vand.u32 $0x7, v3  }
0xb2: {  	v3 =	vor.u32 v3, v4  }
0xb3: {  	v4 =	vperm.xlane v3, v0;
	_ =	sdelay $0x1  }
0xb4: {  	v4 =	vadd.s32 v1, v4;
	_ =	sdelay $0x1  }
0xb5: {  	s0 =	sld [smem:$0x7EE];
	v3 =	vperm.xlane v3, v2;
	_ =	sdelay $0x1  }
0xb6: {  	s11 =	sld [smem:$0x7EF];
	v3 =	vadd.s32 v1, v3  }
0xb7: {  	[tilespmem:s0], [sflag:$0x1] =	stream.indirect_vreg.gather [hbm4b:s3+s2], $0x80, v4, vm0, $0xb8;
	[tilespmem:$0x18080] =	vst v63  }
0xb8: {  	s0 =	sld [smem:$0x7F0]  }
0xb9: {  	[tilespmem:s11], [sflag:$0x1] =	stream.indirect_vreg.gather [hbm4b:s5+s2], $0x80, v4, vm1, $0xb8;
	[tilespmem:$0x18080] =	vst v63  }
0xba: {  	s11 =	sld [smem:$0x7F1]  }
0xbb: {  	[tilespmem:s0], [sflag:$0x1] =	stream.indirect_vreg.gather [hbm4b:s3+s2], $0x80, v3, vm0, $0xb8;
	[tilespmem:$0x18080] =	vst v63  }
0xbc: {  	_ = 	snop  }
0xbd: {  	[tilespmem:s11], [sflag:$0x1] =	stream.indirect_vreg.gather [hbm4b:s5+s2], $0x80, v3, vm1, $0xb8;
	[tilespmem:$0x18080] =	vst v63  }
0xbe: {  	v3 =	vld [tilespmem:$0x0];
	_ =	sdelay $0x4  }
0xbf: {  	v56 =	vshrl.u32 v3, $0x3  }
0xc0: {  	v4 =	vmul.u32 $0x18, v56  }
0xc1: {  	v3 =	vand.u32 $0x7, v3  }
0xc2: {  	v3 =	vor.u32 v3, v4  }
0xc3: {  	v4 =	vperm.xlane v3, v0;
	_ =	sdelay $0x1  }
0xc4: {  	v4 =	vadd.s32 v1, v4;
	_ =	sdelay $0x1  }
0xc5: {  	v3 =	vperm.xlane v3, v2;
	_ =	sdelay $0x1  }
0xc6: {  	s0 =	sld [smem:$0x7F2];
	v3 =	vadd.s32 v1, v3  }
0xc7: {  	[tilespmem:s10], [sflag:$0x2] =	stream.indirect_vreg.gather [hbm4b:s4+s2], $0x80, v4, vm0, $0xb8;
	[tilespmem:$0x18080] =	vst v63  }
0xc8: {  	s11 =	sld [smem:$0x7F3]  }
0xc9: {  	[tilespmem:s0], [sflag:$0x2] =	stream.indirect_vreg.gather [hbm4b:s6+s2], $0x80, v4, vm1, $0xb8;
	[tilespmem:$0x18080] =	vst v63  }
0xca: {  	s0 =	sld [smem:$0x7F4]  }
0xcb: {  	[tilespmem:s11], [sflag:$0x2] =	stream.indirect_vreg.gather [hbm4b:s4+s2], $0x80, v3, vm0, $0xb8;
	[tilespmem:$0x18080] =	vst v63  }
0xcc: {  	_ = 	snop  }
0xcd: {  	[tilespmem:s0], [sflag:$0x2] =	stream.indirect_vreg.gather [hbm4b:s6+s2], $0x80, v3, vm1, $0xb8;
	[tilespmem:$0x18080] =	vst v63  }
0xce: {  	v3 =	vld [tilespmem:$0x10];
	_ =	sdelay $0x4  }
0xcf: {  	v57 =	vshrl.u32 v3, $0x3  }
0xd0: {  	v4 =	vmul.u32 $0x18, v57  }
0xd1: {  	v3 =	vand.u32 $0x7, v3  }
0xd2: {  	v3 =	vor.u32 v3, v4  }
0xd3: {  	v4 =	vperm.xlane v3, v0;
	_ =	sdelay $0x1  }
0xd4: {  	v4 =	vadd.s32 v1, v4;
	_ =	sdelay $0x1  }
0xd5: {  	s0 =	sld [smem:$0x7F5];
	v3 =	vperm.xlane v3, v2;
	_ =	sdelay $0x1  }
0xd6: {  	s11 =	sld [smem:$0x7F6];
	v3 =	vadd.s32 v1, v3  }
0xd7: {  	[tilespmem:s0], [sflag:$0x2] =	stream.indirect_vreg.gather [hbm4b:s4+s2], $0x80, v4, vm0, $0xb8;
	[tilespmem:$0x18080] =	vst v63  }
0xd8: {  	s0 =	sld [smem:$0x7F7]  }
0xd9: {  	[tilespmem:s11], [sflag:$0x2] =	stream.indirect_vreg.gather [hbm4b:s6+s2], $0x80, v4, vm1, $0xb8;
	[tilespmem:$0x18080] =	vst v63  }
0xda: {  	s11 =	sld [smem:$0x7F8]  }
0xdb: {  	[tilespmem:s0], [sflag:$0x2] =	stream.indirect_vreg.gather [hbm4b:s4+s2], $0x80, v3, vm0, $0xb8;
	[tilespmem:$0x18080] =	vst v63  }
0xdc: {  	_ = 	snop  }
0xdd: {  	[tilespmem:s11], [sflag:$0x2] =	stream.indirect_vreg.gather [hbm4b:s6+s2], $0x80, v3, vm1, $0xb8;
	[tilespmem:$0x18080] =	vst v63  }
0xde: {  	v3 =	vld [tilespmem:$0x20];
	_ =	sdelay $0x4  }
0xdf: {  	v58 =	vshrl.u32 v3, $0x3  }
0xe0: {  	v4 =	vmul.u32 $0x18, v58  }
0xe1: {  	v3 =	vand.u32 $0x7, v3  }
0xe2: {  	v3 =	vor.u32 v3, v4  }
0xe3: {  	v4 =	vperm.xlane v3, v0;
	_ =	sdelay $0x1  }
0xe4: {  	v4 =	vadd.s32 v1, v4;
	_ =	sdelay $0x1  }
0xe5: {  	s0 =	sld [smem:$0x7F9];
	v3 =	vperm.xlane v3, v2;
	_ =	sdelay $0x1  }
0xe6: {  	s11 =	sld [smem:$0x7FA];
	v3 =	vadd.s32 v1, v3  }
0xe7: {  	[tilespmem:s0], [sflag:$0x2] =	stream.indirect_vreg.gather [hbm4b:s4+s2], $0x80, v4, vm0, $0xb8;
	[tilespmem:$0x18080] =	vst v63  }
0xe8: {  	s0 =	sld [smem:$0x7FB]  }
0xe9: {  	[tilespmem:s11], [sflag:$0x2] =	stream.indirect_vreg.gather [hbm4b:s6+s2], $0x80, v4, vm1, $0xb8;
	[tilespmem:$0x18080] =	vst v63  }
0xea: {  	s11 =	sld [smem:$0x7FC]  }
0xeb: {  	[tilespmem:s0], [sflag:$0x2] =	stream.indirect_vreg.gather [hbm4b:s4+s2], $0x80, v3, vm0, $0xb8;
	[tilespmem:$0x18080] =	vst v63  }
0xec: {  	_ = 	snop  }
0xed: {  	[tilespmem:s11], [sflag:$0x2] =	stream.indirect_vreg.gather [hbm4b:s6+s2], $0x80, v3, vm1, $0xb8;
	[tilespmem:$0x18080] =	vst v63  }
0xee: {  	v3 =	vld [tilespmem:$0x30];
	_ =	sdelay $0x4  }
0xef: {  	v59 =	vshrl.u32 v3, $0x3  }
0xf0: {  	v4 =	vmul.u32 $0x18, v59  }
0xf1: {  	v3 =	vand.u32 $0x7, v3  }
0xf2: {  	v3 =	vor.u32 v3, v4  }
0xf3: {  	v4 =	vperm.xlane v3, v0;
	_ =	sdelay $0x1  }
0xf4: {  	v4 =	vadd.s32 v1, v4;
	_ =	sdelay $0x1  }
0xf5: {  	s11 =	sld [smem:$0x7FD];
	v3 =	vperm.xlane v3, v2;
	_ =	sdelay $0x1  }
0xf6: {  	v3 =	vadd.s32 v1, v3  }
0xf7: {  	[tilespmem:s11], [sflag:$0x2] =	stream.indirect_vreg.gather [hbm4b:s4+s2], $0x80, v4, vm0, $0xb8;
	[tilespmem:$0x18080] =	vst v63  }
0xf8: {  	s11 =	simm.s32 $0x11080  }
0xf9: {  	[tilespmem:s11], [sflag:$0x2] =	stream.indirect_vreg.gather [hbm4b:s6+s2], $0x80, v4, vm1, $0xb8;
	[tilespmem:$0x18080] =	vst v63  }
0xfa: {  	_ = 	snop  }
0xfb: {  	[tilespmem:s12], [sflag:$0x2] =	stream.indirect_vreg.gather [hbm4b:s4+s2], $0x80, v3, vm0, $0xb8;
	[tilespmem:$0x18080] =	vst v63  }
0xfc: {  	_ = 	snop  }
0xfd: {  	[tilespmem:s13], [sflag:$0x2] =	stream.indirect_vreg.gather [hbm4b:s6+s2], $0x80, v3, vm1, $0xb8;
	[tilespmem:$0x18080] =	vst v63  }
0xfe: {  	v3 =	vld [tilespmem:$0x40];
	_ =	sdelay $0x4  }
0xff: {  	v60 =	vshrl.u32 v3, $0x3  }
0x100: {  	v4 =	vmul.u32 $0x18, v60  }
0x101: {  	v3 =	vand.u32 $0x7, v3  }
0x102: {  	v3 =	vor.u32 v3, v4  }
0x103: {  	v4 =	vperm.xlane v3, v0;
	_ =	sdelay $0x1  }
0x104: {  	v4 =	vadd.s32 v1, v4;
	_ =	sdelay $0x1  }
0x105: {  	v3 =	vperm.xlane v3, v2;
	_ =	sdelay $0x1  }
0x106: {  	v3 =	vadd.s32 v1, v3  }
0x107: {  	[tilespmem:s14], [sflag:$0x2] =	stream.indirect_vreg.gather [hbm4b:s4+s2], $0x80, v4, vm0, $0xb8;
	[tilespmem:$0x18080] =	vst v63  }
0x108: {  	_ = 	snop  }
0x109: {  	[tilespmem:s15], [sflag:$0x2] =	stream.indirect_vreg.gather [hbm4b:s6+s2], $0x80, v4, vm1, $0xb8;
	[tilespmem:$0x18080] =	vst v63  }
0x10a: {  	_ = 	snop  }
0x10b: {  	[tilespmem:s16], [sflag:$0x2] =	stream.indirect_vreg.gather [hbm4b:s4+s2], $0x80, v3, vm0, $0xb8;
	[tilespmem:$0x18080] =	vst v63  }
0x10c: {  	_ = 	snop  }
0x10d: {  	[tilespmem:s17], [sflag:$0x2] =	stream.indirect_vreg.gather [hbm4b:s6+s2], $0x80, v3, vm1, $0xb8;
	[tilespmem:$0x18080] =	vst v63  }
0x10e: {  	v3 =	vld [tilespmem:$0x50];
	_ =	sdelay $0x4  }
0x10f: {  	v61 =	vshrl.u32 v3, $0x3  }
0x110: {  	v4 =	vmul.u32 $0x18, v61  }
0x111: {  	v3 =	vand.u32 $0x7, v3  }
0x112: {  	v3 =	vor.u32 v3, v4  }
0x113: {  	v4 =	vperm.xlane v3, v0;
	_ =	sdelay $0x1  }
0x114: {  	v4 =	vadd.s32 v1, v4;
	_ =	sdelay $0x1  }
0x115: {  	v3 =	vperm.xlane v3, v2;
	_ =	sdelay $0x1  }
0x116: {  	v3 =	vadd.s32 v1, v3  }
0x117: {  	[tilespmem:s18], [sflag:$0x2] =	stream.indirect_vreg.gather [hbm4b:s4+s2], $0x80, v4, vm0, $0xb8;
	[tilespmem:$0x18080] =	vst v63  }
0x118: {  	_ = 	snop  }
0x119: {  	[tilespmem:s19], [sflag:$0x2] =	stream.indirect_vreg.gather [hbm4b:s6+s2], $0x80, v4, vm1, $0xb8;
	[tilespmem:$0x18080] =	vst v63  }
0x11a: {  	_ = 	snop  }
0x11b: {  	[tilespmem:s20], [sflag:$0x2] =	stream.indirect_vreg.gather [hbm4b:s4+s2], $0x80, v3, vm0, $0xb8;
	[tilespmem:$0x18080] =	vst v63  }
0x11c: {  	_ = 	snop  }
0x11d: {  	[tilespmem:s21], [sflag:$0x2] =	stream.indirect_vreg.gather [hbm4b:s6+s2], $0x80, v3, vm1, $0xb8;
	[tilespmem:$0x18080] =	vst v63  }
0x11e: {  	v3 =	vld [tilespmem:$0x60];
	_ =	sdelay $0x4  }
0x11f: {  	v62 =	vshrl.u32 v3, $0x3  }
0x120: {  	v4 =	vmul.u32 $0x18, v62  }
0x121: {  	v3 =	vand.u32 $0x7, v3  }
0x122: {  	v3 =	vor.u32 v3, v4  }
0x123: {  	v4 =	vperm.xlane v3, v0;
	_ =	sdelay $0x1  }
0x124: {  	v4 =	vadd.s32 v1, v4;
	_ =	sdelay $0x1  }
0x125: {  	v3 =	vperm.xlane v3, v2;
	_ =	sdelay $0x1  }
0x126: {  	v3 =	vadd.s32 v1, v3  }
0x127: {  	[tilespmem:s22], [sflag:$0x2] =	stream.indirect_vreg.gather [hbm4b:s4+s2], $0x80, v4, vm0, $0xb8;
	[tilespmem:$0x18080] =	vst v63  }
0x128: {  	_ = 	snop  }
0x129: {  	[tilespmem:s23], [sflag:$0x2] =	stream.indirect_vreg.gather [hbm4b:s6+s2], $0x80, v4, vm1, $0xb8;
	[tilespmem:$0x18080] =	vst v63  }
0x12a: {  	_ = 	snop  }
0x12b: {  	[tilespmem:s24], [sflag:$0x2] =	stream.indirect_vreg.gather [hbm4b:s4+s2], $0x80, v3, vm0, $0xb8;
	[tilespmem:$0x18080] =	vst v63  }
0x12c: {  	_ = 	snop  }
0x12d: {  	[tilespmem:s25], [sflag:$0x2] =	stream.indirect_vreg.gather [hbm4b:s6+s2], $0x80, v3, vm1, $0xb8;
	[tilespmem:$0x18080] =	vst v63  }
0x12e: {  	v3 =	vld [tilespmem:$0x70];
	_ =	sdelay $0x4  }
0x12f: {  	v63 =	vshrl.u32 v3, $0x3  }
0x130: {  	v4 =	vmul.u32 $0x18, v63  }
0x131: {  	v3 =	vand.u32 $0x7, v3  }
0x132: {  	v3 =	vor.u32 v3, v4  }
0x133: {  	v4 =	vperm.xlane v3, v0;
	_ =	sdelay $0x1  }
0x134: {  	v4 =	vadd.s32 v1, v4;
	_ =	sdelay $0x1  }
0x135: {  	v3 =	vperm.xlane v3, v2;
	_ =	sdelay $0x1  }
0x136: {  	v3 =	vadd.s32 v1, v3  }
0x137: {  	[tilespmem:s26], [sflag:$0x2] =	stream.indirect_vreg.gather [hbm4b:s4+s2], $0x80, v4, vm0, $0xb8;
	[tilespmem:$0x18080] =	vst v63  }
0x138: {  	_ = 	snop  }
0x139: {  	[tilespmem:s28], [sflag:$0x2] =	stream.indirect_vreg.gather [hbm4b:s6+s2], $0x80, v4, vm1, $0xb8;
	[tilespmem:$0x18080] =	vst v63  }
0x13a: {  	_ = 	snop  }
0x13b: {  	[tilespmem:s29], [sflag:$0x2] =	stream.indirect_vreg.gather [hbm4b:s4+s2], $0x80, v3, vm0, $0xb8;
	[tilespmem:$0x18080] =	vst v63  }
0x13c: {  	_ = 	snop  }
0x13d: {  	[tilespmem:s30], [sflag:$0x2] =	stream.indirect_vreg.gather [hbm4b:s6+s2], $0x80, v3, vm1, $0xb8;
	[tilespmem:$0x18080] =	vst v63  }
0x13e: {  	_ =	swait.ge [sflag:s31], $0xC000  }
0x13f: {  	[sflag:s31] =	ssyncset.done $0x0  }
0x140: {  	s11 =	rddreg [dreg:$0x3];
	[sflag:s31] =	ssyncadd.s32 $0xFFFF4000  }
0x141: {  	[hbm4b:s11+s2] =	stream.linear.scatter [tilespmem:s9], [sflag:$0x3], $0xC000, $0x38;
	[tilespmem:$0x18080] =	vst v63  }
0x142: {  	_ =	swait.ge [sflag:s8], $0xC000  }
0x143: {  	[sflag:s8] =	ssyncset.done $0x0  }
0x144: {  	[sflag:s8] =	ssyncadd.s32 $0xFFFF4000  }
0x145: {  	_ =	swait.ge [sflag:s1], $0xC000  }
0x146: {  	p0 =	sne.s32 s7, $0x1;
	[sflag:s1] =	ssyncset.done $0x0  }
.Ltmp0:
0x147: {  	s11 =	rddreg [dreg:$0x4];
	[sflag:s1] =	ssyncadd.s32 $0xFFFF4000;
	(pc) =	sbr.rel @p0 .LBB2_1-.Ltmp0, $4  }
0x148: {  	[hbm4b:s11+s2] =	stream.linear.scatter [tilespmem:s10], [sflag:$0x3], $0xC000, $0x38;
	[tilespmem:$0x18080] =	vst v63  }
0x149: {  	_ =	swait.ge [sflag:s8], $0xC000  }
0x14a: {  	[sflag:s8] =	ssyncset.done $0x0  }
0x14b: {  	s7 =	sadd.s32 $0xFFFFFFFF, s7;
	[sflag:s8] =	ssyncadd.s32 $0xFFFF4000  }
0x14c: {  	_ =	sfence.sel $0x180000  }
0x14d: {  	[bflag:$0x0] =	sbarrier.arrive $0xFFFF  }
0x14e: {  	_ =	strace $0x90000047  }
0x14f: {  	s0 =	stileid.u32;
	[bflag:$0x2] =	sbarrier.arrive $0xFFFF  }
0x150: {  	p0 =	sne.s32 s0, $0x0;
	s0 =	rddreg [dreg:$0x1]  }
0x151: {  	s0 =	sadd.s32 @!p0 $0x100000, s0  }
0x152: {  	[sflag:s0] =	ssyncadd.tile.s32 @!p0 $0x1;
	_ =	shalt  }
.Lfunc_end2:
_tile_overlayer_lowered:
.L_overlay_start_2:
0x153: {  	(tag) =	ssettag $0x2  }
0x154: {  	s0 =	rddreg [dreg:$0x0];
	s2 =	stileid.u32  }
0x155: {  	s1 =	rddreg [dreg:$0x1];
	p0 =	sne.s32 s2, $0x0  }
0x156: {  	s3 =	rddreg [dreg:$0x2];
	[bflag:$0x3] =	sbarrier.arrive $0xFFFF;
	s2 =	simm.s32 @!p0 $0x1C03  }
0x157: {  	[timem:s3], [sflag:s2] =	dma.local @!p0 [hbm:s0], s1  }
0x158: {  	s0 =	simm.s32 @!p0 $0x3  }
0x159: {  	_ =	swait.ge @!p0 [sflag:s0], s1  }
0x15a: {  	s1 =	ssub.s32 @!p0 $0x0, s1;
	[sflag:s0] =	ssyncset.done @!p0 $0x0  }
0x15b: {  	[sflag:s0] =	ssyncadd.s32 @!p0 s1  }
0x15c: {  	[bflag:$0x3] =	sbarrier.arrive $0xFFFF  }
0x15d: {  	_ =	shalt  }

</sc_bundles>
